<compile_context>
chip_gen: v7x
topology: tpu7x:2x2x1
jax: 0.10.2.dev20260603
libtpu: 0.0.44.dev20260713+nightly
codegen_flags: <defaults>
</compile_context>

<pallas_src>
import functools
import math

import jax
import jax.numpy as jnp
from jax import lax
from jax.experimental import pallas as pl
from jax.experimental.pallas import tpu as pltpu
from jax.experimental.pallas import tpu_sc as plsc

_L = 16
_BB = 512
_SUB = 128
_NBUF = 2


@functools.partial(jax.jit, static_argnames=("bsz", "h", "d"))
def _emb_lookup(xt, table, bsz, h, d):
    info = plsc.get_sparse_core_info()
    nc, ns = info.num_cores, info.num_subcores
    nw = nc * ns
    n_bblk = bsz // _BB
    n_hblk = nw // n_bblk
    h_per_w = h // n_hblk
    n_sub = _BB // _SUB
    n_dg = d // 8
    n_bg = bsz // 128
    w_bg = _BB // 128
    scale = math.sqrt(float(d))

    mesh = plsc.VectorSubcoreMesh(core_axis_name="c", subcore_axis_name="s")

    @functools.partial(
        pl.kernel,
        mesh=mesh,
        compiler_params=pltpu.CompilerParams(
            use_tc_tiling_on_sc=False, needs_layout_passes=False
        ),
        out_type=jax.ShapeDtypeStruct((h, n_dg, n_bg, 8, 128), jnp.float32),
        scratch_types=[
            pltpu.VMEM((h_per_w, _BB), jnp.int32),
            pltpu.VMEM((_NBUF, _BB, d), jnp.float32),
            pltpu.VMEM((_NBUF, n_dg, w_bg, 8, 129), jnp.float32),
            pltpu.SemaphoreType.DMA((_NBUF,)),
            pltpu.SemaphoreType.DMA((_NBUF,)),
        ],
    )
    def k(xt_hbm, table_hbm, out_hbm, idx_v, gbuf, tbuf, gsem, ssem):
        wid = lax.axis_index("s") * nc + lax.axis_index("c")
        h0 = (wid // n_bblk) * h_per_w
        b0 = (wid % n_bblk) * _BB
        bg0 = (wid % n_bblk) * w_bg
        pltpu.sync_copy(xt_hbm.at[pl.ds(h0, h_per_w), pl.ds(b0, _BB)], idx_v)

        def fire_gathers(s, b):
            for q in range(n_sub):
                pltpu.async_copy(
                    table_hbm.at[idx_v.at[s, pl.ds(q * _SUB, _SUB)]],
                    gbuf.at[b, pl.ds(q * _SUB, _SUB)],
                    gsem.at[b],
                )

        def wait_gathers(b):
            for q in range(n_sub):
                pltpu.make_async_copy(
                    table_hbm.at[idx_v.at[0, pl.ds(0, _SUB)]],
                    gbuf.at[b, pl.ds(0, _SUB)],
                    gsem.at[b],
                ).wait()

        def store_src(b):
            return tbuf.at[b, :, pl.ds(0, w_bg), :, pl.ds(0, 128)]

        for b in range(_NBUF):
            fire_gathers(b, b)

        lane = lax.iota(jnp.int32, _L)

        def slab_body(s, carry):
            b = lax.rem(s, _NBUF)

            wait_gathers(b)

            @pl.when(s >= _NBUF)
            def _():
                pltpu.make_async_copy(
                    store_src(b),
                    out_hbm.at[0, :, pl.ds(0, w_bg)],
                    ssem.at[b],
                ).wait()

            @plsc.parallel_loop(0, _BB, 1, unroll=4)
            def _(r):
                bg = jnp.full((_L,), lax.shift_right_logical(r, 7), jnp.int32)
                b1 = jnp.full((_L,), lax.bitwise_and(r, 127), jnp.int32)
                for jj in range(0, d, _L):
                    dv = jj + lane
                    v = gbuf[b, r, pl.ds(jj, _L)]
                    plsc.store_scatter(
                        tbuf.at[b],
                        [lax.shift_right_logical(dv, 3), bg,
                         lax.bitwise_and(dv, 7), b1],
                        v * scale,
                    )

            pltpu.async_copy(
                store_src(b),
                out_hbm.at[h0 + s, :, pl.ds(bg0, w_bg)],
                ssem.at[b],
            )

            @pl.when(s < h_per_w - _NBUF)
            def _():
                fire_gathers(s + _NBUF, b)

            return carry

        lax.fori_loop(0, h_per_w, slab_body, 0)

        for b in range(_NBUF):
            pltpu.make_async_copy(
                store_src(b),
                out_hbm.at[0, :, pl.ds(0, w_bg)],
                ssem.at[b],
            ).wait()

    return k(xt, table)


def kernel(x, table):
    bsz, h = x.shape
    v, d = table.shape
    info = plsc.get_sparse_core_info()
    nw = info.num_cores * info.num_subcores
    assert bsz % _BB == 0 and h % (nw // (bsz // _BB)) == 0 and d % 8 == 0
    xt = jnp.transpose(x.astype(jnp.int32), (1, 0))
    out = _emb_lookup(xt, table, bsz, h, d)
    out = jnp.transpose(out, (2, 4, 0, 1, 3))
    return out.reshape(bsz, h, d)

# --- scband reference (transcript-rebuilt; emitter-appended) ---
"""Pipeline reference for scband-token-embedding-64750926954723 (READ-ONLY COPY).

The authoritative reference and input builder live on the scoring server;
editing this copy changes nothing except your own understanding.
"""

import jax, jax.numpy as jnp
import numpy as np

VOCAB = 1000000
EMB_DIM = 32
BATCH = 4096
HIST = 200

def setup_inputs(seed: int = 0) -> dict:
    key = jax.random.key(seed)
    k1, k2 = jax.random.split(key)
    x = jax.random.randint(k1, (BATCH, HIST), 0, VOCAB, dtype=jnp.int64 if jax.config.jax_enable_x64 else jnp.int32)
    table = jax.random.normal(k2, (VOCAB, EMB_DIM), dtype=jnp.float32) * 0.02
    return {"x": x, "table": table}

def reference(x, table):
    # out = embedding(x) * sqrt(emb_dim)
    scale = jnp.sqrt(jnp.array([EMB_DIM], dtype=jnp.float32))
    out = jnp.take(table, x, axis=0)
    out = out * scale
    return out

if __name__ == "__main__":
    import jax
    _d = setup_inputs()
    print(jax.jit(kernel)(*tuple(_d.values())))

</pallas_src>

<mosaic_0001>
#map = affine_map<(d0, d1) -> (0, 0)>
#map1 = affine_map<(d0, d1) -> (0, 0, 0, 0, 0)>
module attributes {stable_mosaic.version = 14 : i64} {
  func.func @k(%arg0: i32, %arg1: i32, %arg2: memref<200x4096xi32, #tpu.memory_space<hbm>>, %arg3: memref<1000000x32xf32, #tpu.memory_space<hbm>>, %arg4: memref<200x4x32x8x128xf32, #tpu.memory_space<hbm>>, %arg5: memref<50x512xi32, #tpu.memory_space<vmem>>, %arg6: memref<2x512x32xf32, #tpu.memory_space<vmem>>, %arg7: memref<2x4x4x8x129xf32, #tpu.memory_space<vmem>>, %arg8: memref<2x!tpu.dma_semaphore, #tpu.memory_space<semaphore_mem>>, %arg9: memref<2x!tpu.dma_semaphore, #tpu.memory_space<semaphore_mem>>) attributes {dimension_semantics = [#tpu.dimension_semantics<core_parallel>, #tpu.dimension_semantics<subcore_parallel>], iteration_bounds = array<i64: 2, 16>, scalar_prefetch = 0 : i64, scratch_operands = 5 : i64, tpu.core_type = #tpu.core_type<sc_vector_subcore>, window_params = [{transform_indices = #map}, {transform_indices = #map}, {transform_indices = #map1}]} {
    %mul3A = arith.constant 2 : i32
    %mul3A_0 = arith.muli %arg1, %mul3A : i32
    %add3A = arith.addi %mul3A_0, %arg0 : i32
    %jit3A = arith.constant 8 : i32
    %div3A = arith.divsi %add3A, %jit3A : i32
    %sign3A = arith.constant 0 : i32
    %sign3A_1 = arith.cmpi sgt, %add3A, %sign3A : i32
    %sign3A_2 = arith.extui %sign3A_1 : i1 to i32
    %sign3A_3 = arith.constant 0 : i32
    %sign3A_4 = arith.cmpi slt, %add3A, %sign3A_3 : i32
    %sign3A_5 = arith.extui %sign3A_4 : i1 to i32
    %sign3A_6 = arith.subi %sign3A_2, %sign3A_5 : i32
    %sign3A_7 = arith.constant 0 : i32
    %sign3A_8 = arith.cmpi sgt, %jit3A, %sign3A_7 : i32
    %sign3A_9 = arith.extui %sign3A_8 : i1 to i32
    %sign3A_10 = arith.constant 0 : i32
    %sign3A_11 = arith.cmpi slt, %jit3A, %sign3A_10 : i32
    %sign3A_12 = arith.extui %sign3A_11 : i1 to i32
    %sign3A_13 = arith.subi %sign3A_9, %sign3A_12 : i32
    %ne3A = arith.cmpi ne, %sign3A_6, %sign3A_13 : i32
    %rem3A = arith.remsi %add3A, %jit3A : i32
    %ne3A_14 = arith.constant 0 : i32
    %ne3A_15 = arith.cmpi ne, %rem3A, %ne3A_14 : i32
    %and3A = arith.andi %ne3A, %ne3A_15 : i1
    %sub3A = arith.constant 1 : i32
    %sub3A_16 = arith.subi %div3A, %sub3A : i32
    %select_n3A = arith.select %and3A, %sub3A_16, %div3A : i32
    %mul3A_17 = arith.constant 50 : i32
    %mul3A_18 = arith.muli %select_n3A, %mul3A_17 : i32
    %jit3A_19 = arith.constant 8 : i32
    %eq3A = arith.constant 0 : i32
    %eq3A_20 = arith.cmpi eq, %jit3A_19, %eq3A : i32
    %jit3A_21 = arith.constant 1 : i32
    %select_n3A_22 = arith.select %eq3A_20, %jit3A_21, %jit3A_19 : i32
    %rem3A_23 = arith.remsi %add3A, %select_n3A_22 : i32
    %ne3A_24 = arith.constant 0 : i32
    %ne3A_25 = arith.cmpi ne, %rem3A_23, %ne3A_24 : i32
    %lt3A = arith.constant 0 : i32
    %lt3A_26 = arith.cmpi slt, %rem3A_23, %lt3A : i32
    %lt3A_27 = arith.constant 0 : i32
    %lt3A_28 = arith.cmpi slt, %select_n3A_22, %lt3A_27 : i32
    %ne3A_29 = arith.xori %lt3A_26, %lt3A_28 : i1
    %and3A_30 = arith.andi %ne3A_29, %ne3A_25 : i1
    %add3A_31 = arith.addi %rem3A_23, %select_n3A_22 : i32
    %select_n3A_32 = arith.select %and3A_30, %add3A_31, %rem3A_23 : i32
    %mul3A_33 = arith.constant 512 : i32
    %mul3A_34 = arith.muli %select_n3A_32, %mul3A_33 : i32
    %jit3A_35 = arith.constant 8 : i32
    %eq3A_36 = arith.constant 0 : i32
    %eq3A_37 = arith.cmpi eq, %jit3A_35, %eq3A_36 : i32
    %jit3A_38 = arith.constant 1 : i32
    %select_n3A_39 = arith.select %eq3A_37, %jit3A_38, %jit3A_35 : i32
    %rem3A_40 = arith.remsi %add3A, %select_n3A_39 : i32
    %ne3A_41 = arith.constant 0 : i32
    %ne3A_42 = arith.cmpi ne, %rem3A_40, %ne3A_41 : i32
    %lt3A_43 = arith.constant 0 : i32
    %lt3A_44 = arith.cmpi slt, %rem3A_40, %lt3A_43 : i32
    %lt3A_45 = arith.constant 0 : i32
    %lt3A_46 = arith.cmpi slt, %select_n3A_39, %lt3A_45 : i32
    %ne3A_47 = arith.xori %lt3A_44, %lt3A_46 : i1
    %and3A_48 = arith.andi %ne3A_47, %ne3A_42 : i1
    %add3A_49 = arith.addi %rem3A_40, %select_n3A_39 : i32
    %select_n3A_50 = arith.select %and3A_48, %add3A_49, %rem3A_40 : i32
    %mul3A_51 = arith.constant 4 : i32
    %mul3A_52 = arith.muli %select_n3A_50, %mul3A_51 : i32
    "tpu.region"() ({
      %run_scoped3A = tpu.sem_alloc : memref<!tpu.dma_semaphore, #tpu.memory_space<semaphore_mem>>
      %dma_start3A_234 = tpu.memref_slice %arg2[%mul3A_18, %mul3A_34] : memref<200x4096xi32, #tpu.memory_space<hbm>> -> memref<50x512xi32, #tpu.memory_space<hbm>>
      %dma_start3A_235 = tpu.memref_slice %arg2[%mul3A_18, %mul3A_34] : memref<200x4096xi32, #tpu.memory_space<hbm>> -> memref<50x512xi32, #tpu.memory_space<hbm>>
      tpu.enqueue_dma source(%dma_start3A_235 : memref<50x512xi32, #tpu.memory_space<hbm>>) target(%arg5 : memref<50x512xi32, #tpu.memory_space<vmem>>) target_semaphore(%run_scoped3A : memref<!tpu.dma_semaphore, #tpu.memory_space<semaphore_mem>>)
      %dma_wait3A_236 = tpu.memref_slice %arg2[%mul3A_18, %mul3A_34] : memref<200x4096xi32, #tpu.memory_space<hbm>> -> memref<50x512xi32, #tpu.memory_space<hbm>>
      %dma_wait3A_237 = tpu.memref_slice %arg2[%mul3A_18, %mul3A_34] : memref<200x4096xi32, #tpu.memory_space<hbm>> -> memref<50x512xi32, #tpu.memory_space<hbm>>
      tpu.wait_dma2 semaphore(%run_scoped3A : memref<!tpu.dma_semaphore, #tpu.memory_space<semaphore_mem>>) src(%dma_wait3A_237 : memref<50x512xi32, #tpu.memory_space<hbm>>) dst(%arg5 : memref<50x512xi32, #tpu.memory_space<vmem>>)
      tpu.yield
    }) : () -> ()
    %dma_start3A = arith.constant 0 : i32
    %dma_start3A_53 = arith.constant 0 : i32
    %dma_start3A_54 = arith.constant 0 : i32
    %dma_start3A_55 = arith.constant 0 : i32
    %dma_start3A_56 = arith.constant 0 : i32
    %dma_start3A_57 = tpu.memref_slice %arg6[%dma_start3A_53, %dma_start3A_55, %dma_start3A_56] : memref<2x512x32xf32, #tpu.memory_space<vmem>> -> memref<1x128x32xf32, #tpu.memory_space<vmem>>
    %dma_start3A_58 = tpu.memref_squeeze %dma_start3A_57 : memref<1x128x32xf32, #tpu.memory_space<vmem>> -> memref<128x32xf32, #tpu.memory_space<vmem>>
    %dma_start3A_59 = arith.constant 0 : i32
    %dma_start3A_60 = tpu.memref_slice %arg5[%dma_start3A, %dma_start3A_59] : memref<50x512xi32, #tpu.memory_space<vmem>> -> memref<1x128xi32, #tpu.memory_space<vmem>>
    %dma_start3A_61 = tpu.memref_squeeze %dma_start3A_60 : memref<1x128xi32, #tpu.memory_space<vmem>> -> memref<128xi32, #tpu.memory_space<vmem>>
    %dma_start3A_62 = arith.constant 0 : i32
    %dma_start3A_63 = arith.constant 0 : i32
    %dma_start3A_64 = tpu.memref_slice %arg3[%dma_start3A_62, %dma_start3A_63] : memref<1000000x32xf32, #tpu.memory_space<hbm>> -> memref<1000000x32xf32, #tpu.memory_space<hbm>>
    %dma_start3A_65 = tpu.memref_slice %arg8[%dma_start3A_54] : memref<2x!tpu.dma_semaphore, #tpu.memory_space<semaphore_mem>> -> memref<1x!tpu.dma_semaphore, #tpu.memory_space<semaphore_mem>>
    %dma_start3A_66 = tpu.memref_squeeze %dma_start3A_65 : memref<1x!tpu.dma_semaphore, #tpu.memory_space<semaphore_mem>> -> memref<!tpu.dma_semaphore, #tpu.memory_space<semaphore_mem>>
    tpu.enqueue_indirect_dma source(%dma_start3A_64 : memref<1000000x32xf32, #tpu.memory_space<hbm>>) target(%dma_start3A_58 : memref<128x32xf32, #tpu.memory_space<vmem>>) offsets(%dma_start3A_61 : memref<128xi32, #tpu.memory_space<vmem>>) semaphore(%dma_start3A_66 : memref<!tpu.dma_semaphore, #tpu.memory_space<semaphore_mem>>)
    %dma_start3A_67 = arith.constant 0 : i32
    %dma_start3A_68 = arith.constant 0 : i32
    %dma_start3A_69 = arith.constant 0 : i32
    %dma_start3A_70 = arith.constant 128 : i32
    %dma_start3A_71 = arith.constant 0 : i32
    %dma_start3A_72 = tpu.memref_slice %arg6[%dma_start3A_68, %dma_start3A_70, %dma_start3A_71] : memref<2x512x32xf32, #tpu.memory_space<vmem>> -> memref<1x128x32xf32, #tpu.memory_space<vmem>>
    %dma_start3A_73 = tpu.memref_squeeze %dma_start3A_72 : memref<1x128x32xf32, #tpu.memory_space<vmem>> -> memref<128x32xf32, #tpu.memory_space<vmem>>
    %dma_start3A_74 = arith.constant 128 : i32
    %dma_start3A_75 = tpu.memref_slice %arg5[%dma_start3A_67, %dma_start3A_74] : memref<50x512xi32, #tpu.memory_space<vmem>> -> memref<1x128xi32, #tpu.memory_space<vmem>>
    %dma_start3A_76 = tpu.memref_squeeze %dma_start3A_75 : memref<1x128xi32, #tpu.memory_space<vmem>> -> memref<128xi32, #tpu.memory_space<vmem>>
    %dma_start3A_77 = arith.constant 0 : i32
    %dma_start3A_78 = arith.constant 0 : i32
    %dma_start3A_79 = tpu.memref_slice %arg3[%dma_start3A_77, %dma_start3A_78] : memref<1000000x32xf32, #tpu.memory_space<hbm>> -> memref<1000000x32xf32, #tpu.memory_space<hbm>>
    %dma_start3A_80 = tpu.memref_slice %arg8[%dma_start3A_69] : memref<2x!tpu.dma_semaphore, #tpu.memory_space<semaphore_mem>> -> memref<1x!tpu.dma_semaphore, #tpu.memory_space<semaphore_mem>>
    %dma_start3A_81 = tpu.memref_squeeze %dma_start3A_80 : memref<1x!tpu.dma_semaphore, #tpu.memory_space<semaphore_mem>> -> memref<!tpu.dma_semaphore, #tpu.memory_space<semaphore_mem>>
    tpu.enqueue_indirect_dma source(%dma_start3A_79 : memref<1000000x32xf32, #tpu.memory_space<hbm>>) target(%dma_start3A_73 : memref<128x32xf32, #tpu.memory_space<vmem>>) offsets(%dma_start3A_76 : memref<128xi32, #tpu.memory_space<vmem>>) semaphore(%dma_start3A_81 : memref<!tpu.dma_semaphore, #tpu.memory_space<semaphore_mem>>)
    %dma_start3A_82 = arith.constant 0 : i32
    %dma_start3A_83 = arith.constant 0 : i32
    %dma_start3A_84 = arith.constant 0 : i32
    %dma_start3A_85 = arith.constant 256 : i32
    %dma_start3A_86 = arith.constant 0 : i32
    %dma_start3A_87 = tpu.memref_slice %arg6[%dma_start3A_83, %dma_start3A_85, %dma_start3A_86] : memref<2x512x32xf32, #tpu.memory_space<vmem>> -> memref<1x128x32xf32, #tpu.memory_space<vmem>>
    %dma_start3A_88 = tpu.memref_squeeze %dma_start3A_87 : memref<1x128x32xf32, #tpu.memory_space<vmem>> -> memref<128x32xf32, #tpu.memory_space<vmem>>
    %dma_start3A_89 = arith.constant 256 : i32
    %dma_start3A_90 = tpu.memref_slice %arg5[%dma_start3A_82, %dma_start3A_89] : memref<50x512xi32, #tpu.memory_space<vmem>> -> memref<1x128xi32, #tpu.memory_space<vmem>>
    %dma_start3A_91 = tpu.memref_squeeze %dma_start3A_90 : memref<1x128xi32, #tpu.memory_space<vmem>> -> memref<128xi32, #tpu.memory_space<vmem>>
    %dma_start3A_92 = arith.constant 0 : i32
    %dma_start3A_93 = arith.constant 0 : i32
    %dma_start3A_94 = tpu.memref_slice %arg3[%dma_start3A_92, %dma_start3A_93] : memref<1000000x32xf32, #tpu.memory_space<hbm>> -> memref<1000000x32xf32, #tpu.memory_space<hbm>>
    %dma_start3A_95 = tpu.memref_slice %arg8[%dma_start3A_84] : memref<2x!tpu.dma_semaphore, #tpu.memory_space<semaphore_mem>> -> memref<1x!tpu.dma_semaphore, #tpu.memory_space<semaphore_mem>>
    %dma_start3A_96 = tpu.memref_squeeze %dma_start3A_95 : memref<1x!tpu.dma_semaphore, #tpu.memory_space<semaphore_mem>> -> memref<!tpu.dma_semaphore, #tpu.memory_space<semaphore_mem>>
    tpu.enqueue_indirect_dma source(%dma_start3A_94 : memref<1000000x32xf32, #tpu.memory_space<hbm>>) target(%dma_start3A_88 : memref<128x32xf32, #tpu.memory_space<vmem>>) offsets(%dma_start3A_91 : memref<128xi32, #tpu.memory_space<vmem>>) semaphore(%dma_start3A_96 : memref<!tpu.dma_semaphore, #tpu.memory_space<semaphore_mem>>)
    %dma_start3A_97 = arith.constant 0 : i32
    %dma_start3A_98 = arith.constant 0 : i32
    %dma_start3A_99 = arith.constant 0 : i32
    %dma_start3A_100 = arith.constant 384 : i32
    %dma_start3A_101 = arith.constant 0 : i32
    %dma_start3A_102 = tpu.memref_slice %arg6[%dma_start3A_98, %dma_start3A_100, %dma_start3A_101] : memref<2x512x32xf32, #tpu.memory_space<vmem>> -> memref<1x128x32xf32, #tpu.memory_space<vmem>>
    %dma_start3A_103 = tpu.memref_squeeze %dma_start3A_102 : memref<1x128x32xf32, #tpu.memory_space<vmem>> -> memref<128x32xf32, #tpu.memory_space<vmem>>
    %dma_start3A_104 = arith.constant 384 : i32
    %dma_start3A_105 = tpu.memref_slice %arg5[%dma_start3A_97, %dma_start3A_104] : memref<50x512xi32, #tpu.memory_space<vmem>> -> memref<1x128xi32, #tpu.memory_space<vmem>>
    %dma_start3A_106 = tpu.memref_squeeze %dma_start3A_105 : memref<1x128xi32, #tpu.memory_space<vmem>> -> memref<128xi32, #tpu.memory_space<vmem>>
    %dma_start3A_107 = arith.constant 0 : i32
    %dma_start3A_108 = arith.constant 0 : i32
    %dma_start3A_109 = tpu.memref_slice %arg3[%dma_start3A_107, %dma_start3A_108] : memref<1000000x32xf32, #tpu.memory_space<hbm>> -> memref<1000000x32xf32, #tpu.memory_space<hbm>>
    %dma_start3A_110 = tpu.memref_slice %arg8[%dma_start3A_99] : memref<2x!tpu.dma_semaphore, #tpu.memory_space<semaphore_mem>> -> memref<1x!tpu.dma_semaphore, #tpu.memory_space<semaphore_mem>>
    %dma_start3A_111 = tpu.memref_squeeze %dma_start3A_110 : memref<1x!tpu.dma_semaphore, #tpu.memory_space<semaphore_mem>> -> memref<!tpu.dma_semaphore, #tpu.memory_space<semaphore_mem>>
    tpu.enqueue_indirect_dma source(%dma_start3A_109 : memref<1000000x32xf32, #tpu.memory_space<hbm>>) target(%dma_start3A_103 : memref<128x32xf32, #tpu.memory_space<vmem>>) offsets(%dma_start3A_106 : memref<128xi32, #tpu.memory_space<vmem>>) semaphore(%dma_start3A_111 : memref<!tpu.dma_semaphore, #tpu.memory_space<semaphore_mem>>)
    %dma_start3A_112 = arith.constant 1 : i32
    %dma_start3A_113 = arith.constant 1 : i32
    %dma_start3A_114 = arith.constant 1 : i32
    %dma_start3A_115 = arith.constant 0 : i32
    %dma_start3A_116 = arith.constant 0 : i32
    %dma_start3A_117 = tpu.memref_slice %arg6[%dma_start3A_113, %dma_start3A_115, %dma_start3A_116] : memref<2x512x32xf32, #tpu.memory_space<vmem>> -> memref<1x128x32xf32, #tpu.memory_space<vmem>>
    %dma_start3A_118 = tpu.memref_squeeze %dma_start3A_117 : memref<1x128x32xf32, #tpu.memory_space<vmem>> -> memref<128x32xf32, #tpu.memory_space<vmem>>
    %dma_start3A_119 = arith.constant 0 : i32
    %dma_start3A_120 = tpu.memref_slice %arg5[%dma_start3A_112, %dma_start3A_119] : memref<50x512xi32, #tpu.memory_space<vmem>> -> memref<1x128xi32, #tpu.memory_space<vmem>>
    %dma_start3A_121 = tpu.memref_squeeze %dma_start3A_120 : memref<1x128xi32, #tpu.memory_space<vmem>> -> memref<128xi32, #tpu.memory_space<vmem>>
    %dma_start3A_122 = arith.constant 0 : i32
    %dma_start3A_123 = arith.constant 0 : i32
    %dma_start3A_124 = tpu.memref_slice %arg3[%dma_start3A_122, %dma_start3A_123] : memref<1000000x32xf32, #tpu.memory_space<hbm>> -> memref<1000000x32xf32, #tpu.memory_space<hbm>>
    %dma_start3A_125 = tpu.memref_slice %arg8[%dma_start3A_114] : memref<2x!tpu.dma_semaphore, #tpu.memory_space<semaphore_mem>> -> memref<1x!tpu.dma_semaphore, #tpu.memory_space<semaphore_mem>>
    %dma_start3A_126 = tpu.memref_squeeze %dma_start3A_125 : memref<1x!tpu.dma_semaphore, #tpu.memory_space<semaphore_mem>> -> memref<!tpu.dma_semaphore, #tpu.memory_space<semaphore_mem>>
    tpu.enqueue_indirect_dma source(%dma_start3A_124 : memref<1000000x32xf32, #tpu.memory_space<hbm>>) target(%dma_start3A_118 : memref<128x32xf32, #tpu.memory_space<vmem>>) offsets(%dma_start3A_121 : memref<128xi32, #tpu.memory_space<vmem>>) semaphore(%dma_start3A_126 : memref<!tpu.dma_semaphore, #tpu.memory_space<semaphore_mem>>)
    %dma_start3A_127 = arith.constant 1 : i32
    %dma_start3A_128 = arith.constant 1 : i32
    %dma_start3A_129 = arith.constant 1 : i32
    %dma_start3A_130 = arith.constant 128 : i32
    %dma_start3A_131 = arith.constant 0 : i32
    %dma_start3A_132 = tpu.memref_slice %arg6[%dma_start3A_128, %dma_start3A_130, %dma_start3A_131] : memref<2x512x32xf32, #tpu.memory_space<vmem>> -> memref<1x128x32xf32, #tpu.memory_space<vmem>>
    %dma_start3A_133 = tpu.memref_squeeze %dma_start3A_132 : memref<1x128x32xf32, #tpu.memory_space<vmem>> -> memref<128x32xf32, #tpu.memory_space<vmem>>
    %dma_start3A_134 = arith.constant 128 : i32
    %dma_start3A_135 = tpu.memref_slice %arg5[%dma_start3A_127, %dma_start3A_134] : memref<50x512xi32, #tpu.memory_space<vmem>> -> memref<1x128xi32, #tpu.memory_space<vmem>>
    %dma_start3A_136 = tpu.memref_squeeze %dma_start3A_135 : memref<1x128xi32, #tpu.memory_space<vmem>> -> memref<128xi32, #tpu.memory_space<vmem>>
    %dma_start3A_137 = arith.constant 0 : i32
    %dma_start3A_138 = arith.constant 0 : i32
    %dma_start3A_139 = tpu.memref_slice %arg3[%dma_start3A_137, %dma_start3A_138] : memref<1000000x32xf32, #tpu.memory_space<hbm>> -> memref<1000000x32xf32, #tpu.memory_space<hbm>>
    %dma_start3A_140 = tpu.memref_slice %arg8[%dma_start3A_129] : memref<2x!tpu.dma_semaphore, #tpu.memory_space<semaphore_mem>> -> memref<1x!tpu.dma_semaphore, #tpu.memory_space<semaphore_mem>>
    %dma_start3A_141 = tpu.memref_squeeze %dma_start3A_140 : memref<1x!tpu.dma_semaphore, #tpu.memory_space<semaphore_mem>> -> memref<!tpu.dma_semaphore, #tpu.memory_space<semaphore_mem>>
    tpu.enqueue_indirect_dma source(%dma_start3A_139 : memref<1000000x32xf32, #tpu.memory_space<hbm>>) target(%dma_start3A_133 : memref<128x32xf32, #tpu.memory_space<vmem>>) offsets(%dma_start3A_136 : memref<128xi32, #tpu.memory_space<vmem>>) semaphore(%dma_start3A_141 : memref<!tpu.dma_semaphore, #tpu.memory_space<semaphore_mem>>)
    %dma_start3A_142 = arith.constant 1 : i32
    %dma_start3A_143 = arith.constant 1 : i32
    %dma_start3A_144 = arith.constant 1 : i32
    %dma_start3A_145 = arith.constant 256 : i32
    %dma_start3A_146 = arith.constant 0 : i32
    %dma_start3A_147 = tpu.memref_slice %arg6[%dma_start3A_143, %dma_start3A_145, %dma_start3A_146] : memref<2x512x32xf32, #tpu.memory_space<vmem>> -> memref<1x128x32xf32, #tpu.memory_space<vmem>>
    %dma_start3A_148 = tpu.memref_squeeze %dma_start3A_147 : memref<1x128x32xf32, #tpu.memory_space<vmem>> -> memref<128x32xf32, #tpu.memory_space<vmem>>
    %dma_start3A_149 = arith.constant 256 : i32
    %dma_start3A_150 = tpu.memref_slice %arg5[%dma_start3A_142, %dma_start3A_149] : memref<50x512xi32, #tpu.memory_space<vmem>> -> memref<1x128xi32, #tpu.memory_space<vmem>>
    %dma_start3A_151 = tpu.memref_squeeze %dma_start3A_150 : memref<1x128xi32, #tpu.memory_space<vmem>> -> memref<128xi32, #tpu.memory_space<vmem>>
    %dma_start3A_152 = arith.constant 0 : i32
    %dma_start3A_153 = arith.constant 0 : i32
    %dma_start3A_154 = tpu.memref_slice %arg3[%dma_start3A_152, %dma_start3A_153] : memref<1000000x32xf32, #tpu.memory_space<hbm>> -> memref<1000000x32xf32, #tpu.memory_space<hbm>>
    %dma_start3A_155 = tpu.memref_slice %arg8[%dma_start3A_144] : memref<2x!tpu.dma_semaphore, #tpu.memory_space<semaphore_mem>> -> memref<1x!tpu.dma_semaphore, #tpu.memory_space<semaphore_mem>>
    %dma_start3A_156 = tpu.memref_squeeze %dma_start3A_155 : memref<1x!tpu.dma_semaphore, #tpu.memory_space<semaphore_mem>> -> memref<!tpu.dma_semaphore, #tpu.memory_space<semaphore_mem>>
    tpu.enqueue_indirect_dma source(%dma_start3A_154 : memref<1000000x32xf32, #tpu.memory_space<hbm>>) target(%dma_start3A_148 : memref<128x32xf32, #tpu.memory_space<vmem>>) offsets(%dma_start3A_151 : memref<128xi32, #tpu.memory_space<vmem>>) semaphore(%dma_start3A_156 : memref<!tpu.dma_semaphore, #tpu.memory_space<semaphore_mem>>)
    %dma_start3A_157 = arith.constant 1 : i32
    %dma_start3A_158 = arith.constant 1 : i32
    %dma_start3A_159 = arith.constant 1 : i32
    %dma_start3A_160 = arith.constant 384 : i32
    %dma_start3A_161 = arith.constant 0 : i32
    %dma_start3A_162 = tpu.memref_slice %arg6[%dma_start3A_158, %dma_start3A_160, %dma_start3A_161] : memref<2x512x32xf32, #tpu.memory_space<vmem>> -> memref<1x128x32xf32, #tpu.memory_space<vmem>>
    %dma_start3A_163 = tpu.memref_squeeze %dma_start3A_162 : memref<1x128x32xf32, #tpu.memory_space<vmem>> -> memref<128x32xf32, #tpu.memory_space<vmem>>
    %dma_start3A_164 = arith.constant 384 : i32
    %dma_start3A_165 = tpu.memref_slice %arg5[%dma_start3A_157, %dma_start3A_164] : memref<50x512xi32, #tpu.memory_space<vmem>> -> memref<1x128xi32, #tpu.memory_space<vmem>>
    %dma_start3A_166 = tpu.memref_squeeze %dma_start3A_165 : memref<1x128xi32, #tpu.memory_space<vmem>> -> memref<128xi32, #tpu.memory_space<vmem>>
    %dma_start3A_167 = arith.constant 0 : i32
    %dma_start3A_168 = arith.constant 0 : i32
    %dma_start3A_169 = tpu.memref_slice %arg3[%dma_start3A_167, %dma_start3A_168] : memref<1000000x32xf32, #tpu.memory_space<hbm>> -> memref<1000000x32xf32, #tpu.memory_space<hbm>>
    %dma_start3A_170 = tpu.memref_slice %arg8[%dma_start3A_159] : memref<2x!tpu.dma_semaphore, #tpu.memory_space<semaphore_mem>> -> memref<1x!tpu.dma_semaphore, #tpu.memory_space<semaphore_mem>>
    %dma_start3A_171 = tpu.memref_squeeze %dma_start3A_170 : memref<1x!tpu.dma_semaphore, #tpu.memory_space<semaphore_mem>> -> memref<!tpu.dma_semaphore, #tpu.memory_space<semaphore_mem>>
    tpu.enqueue_indirect_dma source(%dma_start3A_169 : memref<1000000x32xf32, #tpu.memory_space<hbm>>) target(%dma_start3A_163 : memref<128x32xf32, #tpu.memory_space<vmem>>) offsets(%dma_start3A_166 : memref<128xi32, #tpu.memory_space<vmem>>) semaphore(%dma_start3A_171 : memref<!tpu.dma_semaphore, #tpu.memory_space<semaphore_mem>>)
    %iota3A = tpu.iota {dimensions = array<i32: 0>} : vector<16xi32>
    %scan3A = arith.constant 0 : i32
    %scan3A_172 = arith.constant 0 : i32
    %scan3A_173 = arith.constant 50 : i32
    %scan3A_174 = arith.addi %scan3A_172, %scan3A_173 : i32
    %scan3A_175 = arith.constant 1 : i32
    scf.for %scan3A_234 = %scan3A_172 to %scan3A_174 step %scan3A_175  : i32 {
      %rem3A_235 = arith.constant 2 : i32
      %rem3A_236 = arith.remsi %scan3A_234, %rem3A_235 : i32
      %dma_wait3A_237 = arith.constant 0 : i32
      %dma_wait3A_238 = arith.constant 0 : i32
      %dma_wait3A_239 = arith.constant 0 : i32
      %dma_wait3A_240 = tpu.memref_slice %arg6[%rem3A_236, %dma_wait3A_238, %dma_wait3A_239] : memref<2x512x32xf32, #tpu.memory_space<vmem>> -> memref<1x128x32xf32, #tpu.memory_space<vmem>>
      %dma_wait3A_241 = tpu.memref_squeeze %dma_wait3A_240 : memref<1x128x32xf32, #tpu.memory_space<vmem>> -> memref<128x32xf32, #tpu.memory_space<vmem>>
      %dma_wait3A_242 = arith.constant 0 : i32
      %dma_wait3A_243 = tpu.memref_slice %arg5[%dma_wait3A_237, %dma_wait3A_242] : memref<50x512xi32, #tpu.memory_space<vmem>> -> memref<1x128xi32, #tpu.memory_space<vmem>>
      %dma_wait3A_244 = tpu.memref_squeeze %dma_wait3A_243 : memref<1x128xi32, #tpu.memory_space<vmem>> -> memref<128xi32, #tpu.memory_space<vmem>>
      %dma_wait3A_245 = arith.constant 0 : i32
      %dma_wait3A_246 = arith.constant 0 : i32
      %dma_wait3A_247 = tpu.memref_slice %arg3[%dma_wait3A_245, %dma_wait3A_246] : memref<1000000x32xf32, #tpu.memory_space<hbm>> -> memref<1000000x32xf32, #tpu.memory_space<hbm>>
      %dma_wait3A_248 = tpu.memref_slice %arg8[%rem3A_236] : memref<2x!tpu.dma_semaphore, #tpu.memory_space<semaphore_mem>> -> memref<1x!tpu.dma_semaphore, #tpu.memory_space<semaphore_mem>>
      %dma_wait3A_249 = tpu.memref_squeeze %dma_wait3A_248 : memref<1x!tpu.dma_semaphore, #tpu.memory_space<semaphore_mem>> -> memref<!tpu.dma_semaphore, #tpu.memory_space<semaphore_mem>>
      tpu.wait_indirect_dma semaphore(%dma_wait3A_249 : memref<!tpu.dma_semaphore, #tpu.memory_space<semaphore_mem>>) src(%dma_wait3A_247 : memref<1000000x32xf32, #tpu.memory_space<hbm>>) dst(%dma_wait3A_241 : memref<128x32xf32, #tpu.memory_space<vmem>>)
      %dma_wait3A_250 = arith.constant 0 : i32
      %dma_wait3A_251 = arith.constant 0 : i32
      %dma_wait3A_252 = arith.constant 0 : i32
      %dma_wait3A_253 = tpu.memref_slice %arg6[%rem3A_236, %dma_wait3A_251, %dma_wait3A_252] : memref<2x512x32xf32, #tpu.memory_space<vmem>> -> memref<1x128x32xf32, #tpu.memory_space<vmem>>
      %dma_wait3A_254 = tpu.memref_squeeze %dma_wait3A_253 : memref<1x128x32xf32, #tpu.memory_space<vmem>> -> memref<128x32xf32, #tpu.memory_space<vmem>>
      %dma_wait3A_255 = arith.constant 0 : i32
      %dma_wait3A_256 = tpu.memref_slice %arg5[%dma_wait3A_250, %dma_wait3A_255] : memref<50x512xi32, #tpu.memory_space<vmem>> -> memref<1x128xi32, #tpu.memory_space<vmem>>
      %dma_wait3A_257 = tpu.memref_squeeze %dma_wait3A_256 : memref<1x128xi32, #tpu.memory_space<vmem>> -> memref<128xi32, #tpu.memory_space<vmem>>
      %dma_wait3A_258 = arith.constant 0 : i32
      %dma_wait3A_259 = arith.constant 0 : i32
      %dma_wait3A_260 = tpu.memref_slice %arg3[%dma_wait3A_258, %dma_wait3A_259] : memref<1000000x32xf32, #tpu.memory_space<hbm>> -> memref<1000000x32xf32, #tpu.memory_space<hbm>>
      %dma_wait3A_261 = tpu.memref_slice %arg8[%rem3A_236] : memref<2x!tpu.dma_semaphore, #tpu.memory_space<semaphore_mem>> -> memref<1x!tpu.dma_semaphore, #tpu.memory_space<semaphore_mem>>
      %dma_wait3A_262 = tpu.memref_squeeze %dma_wait3A_261 : memref<1x!tpu.dma_semaphore, #tpu.memory_space<semaphore_mem>> -> memref<!tpu.dma_semaphore, #tpu.memory_space<semaphore_mem>>
      tpu.wait_indirect_dma semaphore(%dma_wait3A_262 : memref<!tpu.dma_semaphore, #tpu.memory_space<semaphore_mem>>) src(%dma_wait3A_260 : memref<1000000x32xf32, #tpu.memory_space<hbm>>) dst(%dma_wait3A_254 : memref<128x32xf32, #tpu.memory_space<vmem>>)
      %dma_wait3A_263 = arith.constant 0 : i32
      %dma_wait3A_264 = arith.constant 0 : i32
      %dma_wait3A_265 = arith.constant 0 : i32
      %dma_wait3A_266 = tpu.memref_slice %arg6[%rem3A_236, %dma_wait3A_264, %dma_wait3A_265] : memref<2x512x32xf32, #tpu.memory_space<vmem>> -> memref<1x128x32xf32, #tpu.memory_space<vmem>>
      %dma_wait3A_267 = tpu.memref_squeeze %dma_wait3A_266 : memref<1x128x32xf32, #tpu.memory_space<vmem>> -> memref<128x32xf32, #tpu.memory_space<vmem>>
      %dma_wait3A_268 = arith.constant 0 : i32
      %dma_wait3A_269 = tpu.memref_slice %arg5[%dma_wait3A_263, %dma_wait3A_268] : memref<50x512xi32, #tpu.memory_space<vmem>> -> memref<1x128xi32, #tpu.memory_space<vmem>>
      %dma_wait3A_270 = tpu.memref_squeeze %dma_wait3A_269 : memref<1x128xi32, #tpu.memory_space<vmem>> -> memref<128xi32, #tpu.memory_space<vmem>>
      %dma_wait3A_271 = arith.constant 0 : i32
      %dma_wait3A_272 = arith.constant 0 : i32
      %dma_wait3A_273 = tpu.memref_slice %arg3[%dma_wait3A_271, %dma_wait3A_272] : memref<1000000x32xf32, #tpu.memory_space<hbm>> -> memref<1000000x32xf32, #tpu.memory_space<hbm>>
      %dma_wait3A_274 = tpu.memref_slice %arg8[%rem3A_236] : memref<2x!tpu.dma_semaphore, #tpu.memory_space<semaphore_mem>> -> memref<1x!tpu.dma_semaphore, #tpu.memory_space<semaphore_mem>>
      %dma_wait3A_275 = tpu.memref_squeeze %dma_wait3A_274 : memref<1x!tpu.dma_semaphore, #tpu.memory_space<semaphore_mem>> -> memref<!tpu.dma_semaphore, #tpu.memory_space<semaphore_mem>>
      tpu.wait_indirect_dma semaphore(%dma_wait3A_275 : memref<!tpu.dma_semaphore, #tpu.memory_space<semaphore_mem>>) src(%dma_wait3A_273 : memref<1000000x32xf32, #tpu.memory_space<hbm>>) dst(%dma_wait3A_267 : memref<128x32xf32, #tpu.memory_space<vmem>>)
      %dma_wait3A_276 = arith.constant 0 : i32
      %dma_wait3A_277 = arith.constant 0 : i32
      %dma_wait3A_278 = arith.constant 0 : i32
      %dma_wait3A_279 = tpu.memref_slice %arg6[%rem3A_236, %dma_wait3A_277, %dma_wait3A_278] : memref<2x512x32xf32, #tpu.memory_space<vmem>> -> memref<1x128x32xf32, #tpu.memory_space<vmem>>
      %dma_wait3A_280 = tpu.memref_squeeze %dma_wait3A_279 : memref<1x128x32xf32, #tpu.memory_space<vmem>> -> memref<128x32xf32, #tpu.memory_space<vmem>>
      %dma_wait3A_281 = arith.constant 0 : i32
      %dma_wait3A_282 = tpu.memref_slice %arg5[%dma_wait3A_276, %dma_wait3A_281] : memref<50x512xi32, #tpu.memory_space<vmem>> -> memref<1x128xi32, #tpu.memory_space<vmem>>
      %dma_wait3A_283 = tpu.memref_squeeze %dma_wait3A_282 : memref<1x128xi32, #tpu.memory_space<vmem>> -> memref<128xi32, #tpu.memory_space<vmem>>
      %dma_wait3A_284 = arith.constant 0 : i32
      %dma_wait3A_285 = arith.constant 0 : i32
      %dma_wait3A_286 = tpu.memref_slice %arg3[%dma_wait3A_284, %dma_wait3A_285] : memref<1000000x32xf32, #tpu.memory_space<hbm>> -> memref<1000000x32xf32, #tpu.memory_space<hbm>>
      %dma_wait3A_287 = tpu.memref_slice %arg8[%rem3A_236] : memref<2x!tpu.dma_semaphore, #tpu.memory_space<semaphore_mem>> -> memref<1x!tpu.dma_semaphore, #tpu.memory_space<semaphore_mem>>
      %dma_wait3A_288 = tpu.memref_squeeze %dma_wait3A_287 : memref<1x!tpu.dma_semaphore, #tpu.memory_space<semaphore_mem>> -> memref<!tpu.dma_semaphore, #tpu.memory_space<semaphore_mem>>
      tpu.wait_indirect_dma semaphore(%dma_wait3A_288 : memref<!tpu.dma_semaphore, #tpu.memory_space<semaphore_mem>>) src(%dma_wait3A_286 : memref<1000000x32xf32, #tpu.memory_space<hbm>>) dst(%dma_wait3A_280 : memref<128x32xf32, #tpu.memory_space<vmem>>)
      %ge3A = arith.constant 2 : i32
      %ge3A_289 = arith.cmpi sge, %scan3A_234, %ge3A : i32
      %convert_element_type3A = arith.extui %ge3A_289 : i1 to i32
      %cond3A = arith.constant 0 : i32
      %cond3A_290 = arith.cmpi ne, %convert_element_type3A, %cond3A : i32
      scf.if %cond3A_290 {
        %dma_wait3A_323 = arith.constant 0 : i32
        %dma_wait3A_324 = arith.constant 0 : i32
        %dma_wait3A_325 = arith.constant 0 : i32
        %dma_wait3A_326 = arith.constant 0 : i32
        %dma_wait3A_327 = arith.constant 0 : i32
        %dma_wait3A_328 = tpu.memref_slice %arg7[%rem3A_236, %dma_wait3A_324, %dma_wait3A_325, %dma_wait3A_326, %dma_wait3A_327] : memref<2x4x4x8x129xf32, #tpu.memory_space<vmem>> -> memref<1x4x4x8x128xf32, #tpu.memory_space<vmem>>
        %dma_wait3A_329 = tpu.memref_squeeze %dma_wait3A_328 : memref<1x4x4x8x128xf32, #tpu.memory_space<vmem>> -> memref<4x4x8x128xf32, #tpu.memory_space<vmem>>
        %dma_wait3A_330 = arith.constant 0 : i32
        %dma_wait3A_331 = arith.constant 0 : i32
        %dma_wait3A_332 = arith.constant 0 : i32
        %dma_wait3A_333 = arith.constant 0 : i32
        %dma_wait3A_334 = tpu.memref_slice %arg4[%dma_wait3A_323, %dma_wait3A_330, %dma_wait3A_331, %dma_wait3A_332, %dma_wait3A_333] : memref<200x4x32x8x128xf32, #tpu.memory_space<hbm>> -> memref<1x4x4x8x128xf32, #tpu.memory_space<hbm>>
        %dma_wait3A_335 = tpu.memref_squeeze %dma_wait3A_334 : memref<1x4x4x8x128xf32, #tpu.memory_space<hbm>> -> memref<4x4x8x128xf32, #tpu.memory_space<hbm>>
        %dma_wait3A_336 = tpu.memref_slice %arg9[%rem3A_236] : memref<2x!tpu.dma_semaphore, #tpu.memory_space<semaphore_mem>> -> memref<1x!tpu.dma_semaphore, #tpu.memory_space<semaphore_mem>>
        %dma_wait3A_337 = tpu.memref_squeeze %dma_wait3A_336 : memref<1x!tpu.dma_semaphore, #tpu.memory_space<semaphore_mem>> -> memref<!tpu.dma_semaphore, #tpu.memory_space<semaphore_mem>>
        %dma_wait3A_338 = arith.constant 0 : i32
        %dma_wait3A_339 = arith.constant 0 : i32
        %dma_wait3A_340 = arith.constant 0 : i32
        %dma_wait3A_341 = arith.constant 0 : i32
        %dma_wait3A_342 = tpu.memref_slice %arg4[%dma_wait3A_323, %dma_wait3A_338, %dma_wait3A_339, %dma_wait3A_340, %dma_wait3A_341] : memref<200x4x32x8x128xf32, #tpu.memory_space<hbm>> -> memref<1x4x4x8x128xf32, #tpu.memory_space<hbm>>
        %dma_wait3A_343 = tpu.memref_squeeze %dma_wait3A_342 : memref<1x4x4x8x128xf32, #tpu.memory_space<hbm>> -> memref<4x4x8x128xf32, #tpu.memory_space<hbm>>
        %dma_wait3A_344 = arith.constant 0 : i32
        %dma_wait3A_345 = arith.constant 0 : i32
        %dma_wait3A_346 = arith.constant 0 : i32
        %dma_wait3A_347 = arith.constant 0 : i32
        %dma_wait3A_348 = tpu.memref_slice %arg7[%rem3A_236, %dma_wait3A_344, %dma_wait3A_345, %dma_wait3A_346, %dma_wait3A_347] : memref<2x4x4x8x129xf32, #tpu.memory_space<vmem>> -> memref<1x4x4x8x128xf32, #tpu.memory_space<vmem>>
        %dma_wait3A_349 = tpu.memref_squeeze %dma_wait3A_348 : memref<1x4x4x8x128xf32, #tpu.memory_space<vmem>> -> memref<4x4x8x128xf32, #tpu.memory_space<vmem>>
        tpu.wait_dma2 semaphore(%dma_wait3A_337 : memref<!tpu.dma_semaphore, #tpu.memory_space<semaphore_mem>>) src(%dma_wait3A_349 : memref<4x4x8x128xf32, #tpu.memory_space<vmem>>) dst(%dma_wait3A_343 : memref<4x4x8x128xf32, #tpu.memory_space<hbm>>)
      } else {
      }
      %parallel_loop3A = arith.constant 0 : i32
      %parallel_loop3A_291 = arith.constant 512 : i32
      %parallel_loop3A_292 = arith.constant 1 : i32
      scf.for %parallel_loop3A_323 = %parallel_loop3A to %parallel_loop3A_291 step %parallel_loop3A_292  : i32 {
        %parallel_loop3A_324 = arith.constant 7 : i32
        %parallel_loop3A_325 = arith.shrui %parallel_loop3A_323, %parallel_loop3A_324 : i32
        %parallel_loop3A_326 = vector.broadcast %parallel_loop3A_325 : i32 to vector<16xi32>
        %parallel_loop3A_327 = arith.constant 127 : i32
        %parallel_loop3A_328 = arith.andi %parallel_loop3A_323, %parallel_loop3A_327 : i32
        %parallel_loop3A_329 = vector.broadcast %parallel_loop3A_328 : i32 to vector<16xi32>
        %parallel_loop3A_330 = arith.constant 0 : i32
        %parallel_loop3A_331 = vector.broadcast %parallel_loop3A_330 : i32 to vector<16xi32>
        %parallel_loop3A_332 = arith.addi %parallel_loop3A_331, %iota3A : vector<16xi32>
        %parallel_loop3A_333 = arith.index_cast %rem3A_236 : i32 to index
        %parallel_loop3A_334 = arith.index_cast %parallel_loop3A_323 : i32 to index
        %parallel_loop3A_335 = arith.constant 0 : index
        %parallel_loop3A_336 = tpu.vector_load %arg6[%parallel_loop3A_333, %parallel_loop3A_334, %parallel_loop3A_335] {strides = array<i32>} : memref<2x512x32xf32, #tpu.memory_space<vmem>>, vector<16xf32>,
        %parallel_loop3A_337 = arith.constant 3 : i32
        %parallel_loop3A_338 = vector.broadcast %parallel_loop3A_337 : i32 to vector<16xi32>
        %parallel_loop3A_339 = arith.shrui %parallel_loop3A_332, %parallel_loop3A_338 : vector<16xi32>
        %parallel_loop3A_340 = arith.constant 7 : i32
        %parallel_loop3A_341 = vector.broadcast %parallel_loop3A_340 : i32 to vector<16xi32>
        %parallel_loop3A_342 = arith.andi %parallel_loop3A_332, %parallel_loop3A_341 : vector<16xi32>
        %parallel_loop3A_343 = arith.constant 5.65685415 : f32
        %parallel_loop3A_344 = vector.broadcast %parallel_loop3A_343 : f32 to vector<16xf32>
        %parallel_loop3A_345 = arith.mulf %parallel_loop3A_336, %parallel_loop3A_344 : vector<16xf32>
        %parallel_loop3A_346 = arith.constant 0 : i32
        %parallel_loop3A_347 = arith.constant 0 : i32
        %parallel_loop3A_348 = arith.constant 0 : i32
        %parallel_loop3A_349 = arith.constant 0 : i32
        %parallel_loop3A_350 = tpu.memref_slice %arg7[%rem3A_236, %parallel_loop3A_346, %parallel_loop3A_347, %parallel_loop3A_348, %parallel_loop3A_349] : memref<2x4x4x8x129xf32, #tpu.memory_space<vmem>> -> memref<1x4x4x8x129xf32, #tpu.memory_space<vmem>>
        %parallel_loop3A_351 = tpu.memref_squeeze %parallel_loop3A_350 : memref<1x4x4x8x129xf32, #tpu.memory_space<vmem>> -> memref<4x4x8x129xf32, #tpu.memory_space<vmem>>
        tpu.vector_store_idx %parallel_loop3A_351[%parallel_loop3A_339, %parallel_loop3A_326, %parallel_loop3A_342, %parallel_loop3A_329], %parallel_loop3A_345 : memref<4x4x8x129xf32, #tpu.memory_space<vmem>>[vector<16xi32>, vector<16xi32>, vector<16xi32>, vector<16xi32>], vector<16xf32>,
        %parallel_loop3A_352 = arith.constant 16 : i32
        %parallel_loop3A_353 = vector.broadcast %parallel_loop3A_352 : i32 to vector<16xi32>
        %parallel_loop3A_354 = arith.addi %parallel_loop3A_353, %iota3A : vector<16xi32>
        %parallel_loop3A_355 = arith.index_cast %rem3A_236 : i32 to index
        %parallel_loop3A_356 = arith.index_cast %parallel_loop3A_323 : i32 to index
        %parallel_loop3A_357 = arith.constant 16 : index
        %parallel_loop3A_358 = tpu.vector_load %arg6[%parallel_loop3A_355, %parallel_loop3A_356, %parallel_loop3A_357] {strides = array<i32>} : memref<2x512x32xf32, #tpu.memory_space<vmem>>, vector<16xf32>,
        %parallel_loop3A_359 = arith.constant 3 : i32
        %parallel_loop3A_360 = vector.broadcast %parallel_loop3A_359 : i32 to vector<16xi32>
        %parallel_loop3A_361 = arith.shrui %parallel_loop3A_354, %parallel_loop3A_360 : vector<16xi32>
        %parallel_loop3A_362 = arith.constant 7 : i32
        %parallel_loop3A_363 = vector.broadcast %parallel_loop3A_362 : i32 to vector<16xi32>
        %parallel_loop3A_364 = arith.andi %parallel_loop3A_354, %parallel_loop3A_363 : vector<16xi32>
        %parallel_loop3A_365 = arith.constant 5.65685415 : f32
        %parallel_loop3A_366 = vector.broadcast %parallel_loop3A_365 : f32 to vector<16xf32>
        %parallel_loop3A_367 = arith.mulf %parallel_loop3A_358, %parallel_loop3A_366 : vector<16xf32>
        %parallel_loop3A_368 = arith.constant 0 : i32
        %parallel_loop3A_369 = arith.constant 0 : i32
        %parallel_loop3A_370 = arith.constant 0 : i32
        %parallel_loop3A_371 = arith.constant 0 : i32
        %parallel_loop3A_372 = tpu.memref_slice %arg7[%rem3A_236, %parallel_loop3A_368, %parallel_loop3A_369, %parallel_loop3A_370, %parallel_loop3A_371] : memref<2x4x4x8x129xf32, #tpu.memory_space<vmem>> -> memref<1x4x4x8x129xf32, #tpu.memory_space<vmem>>
        %parallel_loop3A_373 = tpu.memref_squeeze %parallel_loop3A_372 : memref<1x4x4x8x129xf32, #tpu.memory_space<vmem>> -> memref<4x4x8x129xf32, #tpu.memory_space<vmem>>
        tpu.vector_store_idx %parallel_loop3A_373[%parallel_loop3A_361, %parallel_loop3A_326, %parallel_loop3A_364, %parallel_loop3A_329], %parallel_loop3A_367 : memref<4x4x8x129xf32, #tpu.memory_space<vmem>>[vector<16xi32>, vector<16xi32>, vector<16xi32>, vector<16xi32>], vector<16xf32>,
      } {sc.loop_unroll_factor = 4 : i64, sc.parallel_access}
      %add3A_293 = arith.addi %mul3A_18, %scan3A_234 : i32
      %dma_start3A_294 = arith.constant 0 : i32
      %dma_start3A_295 = arith.constant 0 : i32
      %dma_start3A_296 = arith.constant 0 : i32
      %dma_start3A_297 = arith.constant 0 : i32
      %dma_start3A_298 = tpu.memref_slice %arg7[%rem3A_236, %dma_start3A_294, %dma_start3A_295, %dma_start3A_296, %dma_start3A_297] : memref<2x4x4x8x129xf32, #tpu.memory_space<vmem>> -> memref<1x4x4x8x128xf32, #tpu.memory_space<vmem>>
      %dma_start3A_299 = tpu.memref_squeeze %dma_start3A_298 : memref<1x4x4x8x128xf32, #tpu.memory_space<vmem>> -> memref<4x4x8x128xf32, #tpu.memory_space<vmem>>
      %dma_start3A_300 = arith.constant 0 : i32
      %dma_start3A_301 = arith.constant 0 : i32
      %dma_start3A_302 = arith.constant 0 : i32
      %dma_start3A_303 = tpu.memref_slice %arg4[%add3A_293, %dma_start3A_300, %mul3A_52, %dma_start3A_301, %dma_start3A_302] : memref<200x4x32x8x128xf32, #tpu.memory_space<hbm>> -> memref<1x4x4x8x128xf32, #tpu.memory_space<hbm>>
      %dma_start3A_304 = tpu.memref_squeeze %dma_start3A_303 : memref<1x4x4x8x128xf32, #tpu.memory_space<hbm>> -> memref<4x4x8x128xf32, #tpu.memory_space<hbm>>
      %dma_start3A_305 = tpu.memref_slice %arg9[%rem3A_236] : memref<2x!tpu.dma_semaphore, #tpu.memory_space<semaphore_mem>> -> memref<1x!tpu.dma_semaphore, #tpu.memory_space<semaphore_mem>>
      %dma_start3A_306 = tpu.memref_squeeze %dma_start3A_305 : memref<1x!tpu.dma_semaphore, #tpu.memory_space<semaphore_mem>> -> memref<!tpu.dma_semaphore, #tpu.memory_space<semaphore_mem>>
      %dma_start3A_307 = arith.constant 0 : i32
      %dma_start3A_308 = arith.constant 0 : i32
      %dma_start3A_309 = arith.constant 0 : i32
      %dma_start3A_310 = tpu.memref_slice %arg4[%add3A_293, %dma_start3A_307, %mul3A_52, %dma_start3A_308, %dma_start3A_309] : memref<200x4x32x8x128xf32, #tpu.memory_space<hbm>> -> memref<1x4x4x8x128xf32, #tpu.memory_space<hbm>>
      %dma_start3A_311 = tpu.memref_squeeze %dma_start3A_310 : memref<1x4x4x8x128xf32, #tpu.memory_space<hbm>> -> memref<4x4x8x128xf32, #tpu.memory_space<hbm>>
      %dma_start3A_312 = arith.constant 0 : i32
      %dma_start3A_313 = arith.constant 0 : i32
      %dma_start3A_314 = arith.constant 0 : i32
      %dma_start3A_315 = arith.constant 0 : i32
      %dma_start3A_316 = tpu.memref_slice %arg7[%rem3A_236, %dma_start3A_312, %dma_start3A_313, %dma_start3A_314, %dma_start3A_315] : memref<2x4x4x8x129xf32, #tpu.memory_space<vmem>> -> memref<1x4x4x8x128xf32, #tpu.memory_space<vmem>>
      %dma_start3A_317 = tpu.memref_squeeze %dma_start3A_316 : memref<1x4x4x8x128xf32, #tpu.memory_space<vmem>> -> memref<4x4x8x128xf32, #tpu.memory_space<vmem>>
      tpu.enqueue_dma source(%dma_start3A_317 : memref<4x4x8x128xf32, #tpu.memory_space<vmem>>) target(%dma_start3A_311 : memref<4x4x8x128xf32, #tpu.memory_space<hbm>>) target_semaphore(%dma_start3A_306 : memref<!tpu.dma_semaphore, #tpu.memory_space<semaphore_mem>>)
      %lt3A_318 = arith.constant 48 : i32
      %lt3A_319 = arith.cmpi slt, %scan3A_234, %lt3A_318 : i32
      %convert_element_type3A_320 = arith.extui %lt3A_319 : i1 to i32
      %cond3A_321 = arith.constant 0 : i32
      %cond3A_322 = arith.cmpi ne, %convert_element_type3A_320, %cond3A_321 : i32
      scf.if %cond3A_322 {
        %add3A_323 = arith.constant 2 : i32
        %add3A_324 = arith.addi %scan3A_234, %add3A_323 : i32
        %dma_start3A_325 = arith.constant 0 : i32
        %dma_start3A_326 = arith.constant 0 : i32
        %dma_start3A_327 = tpu.memref_slice %arg6[%rem3A_236, %dma_start3A_325, %dma_start3A_326] : memref<2x512x32xf32, #tpu.memory_space<vmem>> -> memref<1x128x32xf32, #tpu.memory_space<vmem>>
        %dma_start3A_328 = tpu.memref_squeeze %dma_start3A_327 : memref<1x128x32xf32, #tpu.memory_space<vmem>> -> memref<128x32xf32, #tpu.memory_space<vmem>>
        %dma_start3A_329 = arith.constant 0 : i32
        %dma_start3A_330 = tpu.memref_slice %arg5[%add3A_324, %dma_start3A_329] : memref<50x512xi32, #tpu.memory_space<vmem>> -> memref<1x128xi32, #tpu.memory_space<vmem>>
        %dma_start3A_331 = tpu.memref_squeeze %dma_start3A_330 : memref<1x128xi32, #tpu.memory_space<vmem>> -> memref<128xi32, #tpu.memory_space<vmem>>
        %dma_start3A_332 = arith.constant 0 : i32
        %dma_start3A_333 = arith.constant 0 : i32
        %dma_start3A_334 = tpu.memref_slice %arg3[%dma_start3A_332, %dma_start3A_333] : memref<1000000x32xf32, #tpu.memory_space<hbm>> -> memref<1000000x32xf32, #tpu.memory_space<hbm>>
        %dma_start3A_335 = tpu.memref_slice %arg8[%rem3A_236] : memref<2x!tpu.dma_semaphore, #tpu.memory_space<semaphore_mem>> -> memref<1x!tpu.dma_semaphore, #tpu.memory_space<semaphore_mem>>
        %dma_start3A_336 = tpu.memref_squeeze %dma_start3A_335 : memref<1x!tpu.dma_semaphore, #tpu.memory_space<semaphore_mem>> -> memref<!tpu.dma_semaphore, #tpu.memory_space<semaphore_mem>>
        tpu.enqueue_indirect_dma source(%dma_start3A_334 : memref<1000000x32xf32, #tpu.memory_space<hbm>>) target(%dma_start3A_328 : memref<128x32xf32, #tpu.memory_space<vmem>>) offsets(%dma_start3A_331 : memref<128xi32, #tpu.memory_space<vmem>>) semaphore(%dma_start3A_336 : memref<!tpu.dma_semaphore, #tpu.memory_space<semaphore_mem>>)
        %dma_start3A_337 = arith.constant 128 : i32
        %dma_start3A_338 = arith.constant 0 : i32
        %dma_start3A_339 = tpu.memref_slice %arg6[%rem3A_236, %dma_start3A_337, %dma_start3A_338] : memref<2x512x32xf32, #tpu.memory_space<vmem>> -> memref<1x128x32xf32, #tpu.memory_space<vmem>>
        %dma_start3A_340 = tpu.memref_squeeze %dma_start3A_339 : memref<1x128x32xf32, #tpu.memory_space<vmem>> -> memref<128x32xf32, #tpu.memory_space<vmem>>
        %dma_start3A_341 = arith.constant 128 : i32
        %dma_start3A_342 = tpu.memref_slice %arg5[%add3A_324, %dma_start3A_341] : memref<50x512xi32, #tpu.memory_space<vmem>> -> memref<1x128xi32, #tpu.memory_space<vmem>>
        %dma_start3A_343 = tpu.memref_squeeze %dma_start3A_342 : memref<1x128xi32, #tpu.memory_space<vmem>> -> memref<128xi32, #tpu.memory_space<vmem>>
        %dma_start3A_344 = arith.constant 0 : i32
        %dma_start3A_345 = arith.constant 0 : i32
        %dma_start3A_346 = tpu.memref_slice %arg3[%dma_start3A_344, %dma_start3A_345] : memref<1000000x32xf32, #tpu.memory_space<hbm>> -> memref<1000000x32xf32, #tpu.memory_space<hbm>>
        %dma_start3A_347 = tpu.memref_slice %arg8[%rem3A_236] : memref<2x!tpu.dma_semaphore, #tpu.memory_space<semaphore_mem>> -> memref<1x!tpu.dma_semaphore, #tpu.memory_space<semaphore_mem>>
        %dma_start3A_348 = tpu.memref_squeeze %dma_start3A_347 : memref<1x!tpu.dma_semaphore, #tpu.memory_space<semaphore_mem>> -> memref<!tpu.dma_semaphore, #tpu.memory_space<semaphore_mem>>
        tpu.enqueue_indirect_dma source(%dma_start3A_346 : memref<1000000x32xf32, #tpu.memory_space<hbm>>) target(%dma_start3A_340 : memref<128x32xf32, #tpu.memory_space<vmem>>) offsets(%dma_start3A_343 : memref<128xi32, #tpu.memory_space<vmem>>) semaphore(%dma_start3A_348 : memref<!tpu.dma_semaphore, #tpu.memory_space<semaphore_mem>>)
        %dma_start3A_349 = arith.constant 256 : i32
        %dma_start3A_350 = arith.constant 0 : i32
        %dma_start3A_351 = tpu.memref_slice %arg6[%rem3A_236, %dma_start3A_349, %dma_start3A_350] : memref<2x512x32xf32, #tpu.memory_space<vmem>> -> memref<1x128x32xf32, #tpu.memory_space<vmem>>
        %dma_start3A_352 = tpu.memref_squeeze %dma_start3A_351 : memref<1x128x32xf32, #tpu.memory_space<vmem>> -> memref<128x32xf32, #tpu.memory_space<vmem>>
        %dma_start3A_353 = arith.constant 256 : i32
        %dma_start3A_354 = tpu.memref_slice %arg5[%add3A_324, %dma_start3A_353] : memref<50x512xi32, #tpu.memory_space<vmem>> -> memref<1x128xi32, #tpu.memory_space<vmem>>
        %dma_start3A_355 = tpu.memref_squeeze %dma_start3A_354 : memref<1x128xi32, #tpu.memory_space<vmem>> -> memref<128xi32, #tpu.memory_space<vmem>>
        %dma_start3A_356 = arith.constant 0 : i32
        %dma_start3A_357 = arith.constant 0 : i32
        %dma_start3A_358 = tpu.memref_slice %arg3[%dma_start3A_356, %dma_start3A_357] : memref<1000000x32xf32, #tpu.memory_space<hbm>> -> memref<1000000x32xf32, #tpu.memory_space<hbm>>
        %dma_start3A_359 = tpu.memref_slice %arg8[%rem3A_236] : memref<2x!tpu.dma_semaphore, #tpu.memory_space<semaphore_mem>> -> memref<1x!tpu.dma_semaphore, #tpu.memory_space<semaphore_mem>>
        %dma_start3A_360 = tpu.memref_squeeze %dma_start3A_359 : memref<1x!tpu.dma_semaphore, #tpu.memory_space<semaphore_mem>> -> memref<!tpu.dma_semaphore, #tpu.memory_space<semaphore_mem>>
        tpu.enqueue_indirect_dma source(%dma_start3A_358 : memref<1000000x32xf32, #tpu.memory_space<hbm>>) target(%dma_start3A_352 : memref<128x32xf32, #tpu.memory_space<vmem>>) offsets(%dma_start3A_355 : memref<128xi32, #tpu.memory_space<vmem>>) semaphore(%dma_start3A_360 : memref<!tpu.dma_semaphore, #tpu.memory_space<semaphore_mem>>)
        %dma_start3A_361 = arith.constant 384 : i32
        %dma_start3A_362 = arith.constant 0 : i32
        %dma_start3A_363 = tpu.memref_slice %arg6[%rem3A_236, %dma_start3A_361, %dma_start3A_362] : memref<2x512x32xf32, #tpu.memory_space<vmem>> -> memref<1x128x32xf32, #tpu.memory_space<vmem>>
        %dma_start3A_364 = tpu.memref_squeeze %dma_start3A_363 : memref<1x128x32xf32, #tpu.memory_space<vmem>> -> memref<128x32xf32, #tpu.memory_space<vmem>>
        %dma_start3A_365 = arith.constant 384 : i32
        %dma_start3A_366 = tpu.memref_slice %arg5[%add3A_324, %dma_start3A_365] : memref<50x512xi32, #tpu.memory_space<vmem>> -> memref<1x128xi32, #tpu.memory_space<vmem>>
        %dma_start3A_367 = tpu.memref_squeeze %dma_start3A_366 : memref<1x128xi32, #tpu.memory_space<vmem>> -> memref<128xi32, #tpu.memory_space<vmem>>
        %dma_start3A_368 = arith.constant 0 : i32
        %dma_start3A_369 = arith.constant 0 : i32
        %dma_start3A_370 = tpu.memref_slice %arg3[%dma_start3A_368, %dma_start3A_369] : memref<1000000x32xf32, #tpu.memory_space<hbm>> -> memref<1000000x32xf32, #tpu.memory_space<hbm>>
        %dma_start3A_371 = tpu.memref_slice %arg8[%rem3A_236] : memref<2x!tpu.dma_semaphore, #tpu.memory_space<semaphore_mem>> -> memref<1x!tpu.dma_semaphore, #tpu.memory_space<semaphore_mem>>
        %dma_start3A_372 = tpu.memref_squeeze %dma_start3A_371 : memref<1x!tpu.dma_semaphore, #tpu.memory_space<semaphore_mem>> -> memref<!tpu.dma_semaphore, #tpu.memory_space<semaphore_mem>>
        tpu.enqueue_indirect_dma source(%dma_start3A_370 : memref<1000000x32xf32, #tpu.memory_space<hbm>>) target(%dma_start3A_364 : memref<128x32xf32, #tpu.memory_space<vmem>>) offsets(%dma_start3A_367 : memref<128xi32, #tpu.memory_space<vmem>>) semaphore(%dma_start3A_372 : memref<!tpu.dma_semaphore, #tpu.memory_space<semaphore_mem>>)
      } else {
      }
    }
    %scan3A_176 = arith.constant 50 : i32
    %dma_wait3A = arith.constant 0 : i32
    %dma_wait3A_177 = arith.constant 0 : i32
    %dma_wait3A_178 = arith.constant 0 : i32
    %dma_wait3A_179 = arith.constant 0 : i32
    %dma_wait3A_180 = arith.constant 0 : i32
    %dma_wait3A_181 = arith.constant 0 : i32
    %dma_wait3A_182 = arith.constant 0 : i32
    %dma_wait3A_183 = tpu.memref_slice %arg7[%dma_wait3A, %dma_wait3A_179, %dma_wait3A_180, %dma_wait3A_181, %dma_wait3A_182] : memref<2x4x4x8x129xf32, #tpu.memory_space<vmem>> -> memref<1x4x4x8x128xf32, #tpu.memory_space<vmem>>
    %dma_wait3A_184 = tpu.memref_squeeze %dma_wait3A_183 : memref<1x4x4x8x128xf32, #tpu.memory_space<vmem>> -> memref<4x4x8x128xf32, #tpu.memory_space<vmem>>
    %dma_wait3A_185 = arith.constant 0 : i32
    %dma_wait3A_186 = arith.constant 0 : i32
    %dma_wait3A_187 = arith.constant 0 : i32
    %dma_wait3A_188 = arith.constant 0 : i32
    %dma_wait3A_189 = tpu.memref_slice %arg4[%dma_wait3A_177, %dma_wait3A_185, %dma_wait3A_186, %dma_wait3A_187, %dma_wait3A_188] : memref<200x4x32x8x128xf32, #tpu.memory_space<hbm>> -> memref<1x4x4x8x128xf32, #tpu.memory_space<hbm>>
    %dma_wait3A_190 = tpu.memref_squeeze %dma_wait3A_189 : memref<1x4x4x8x128xf32, #tpu.memory_space<hbm>> -> memref<4x4x8x128xf32, #tpu.memory_space<hbm>>
    %dma_wait3A_191 = tpu.memref_slice %arg9[%dma_wait3A_178] : memref<2x!tpu.dma_semaphore, #tpu.memory_space<semaphore_mem>> -> memref<1x!tpu.dma_semaphore, #tpu.memory_space<semaphore_mem>>
    %dma_wait3A_192 = tpu.memref_squeeze %dma_wait3A_191 : memref<1x!tpu.dma_semaphore, #tpu.memory_space<semaphore_mem>> -> memref<!tpu.dma_semaphore, #tpu.memory_space<semaphore_mem>>
    %dma_wait3A_193 = arith.constant 0 : i32
    %dma_wait3A_194 = arith.constant 0 : i32
    %dma_wait3A_195 = arith.constant 0 : i32
    %dma_wait3A_196 = arith.constant 0 : i32
    %dma_wait3A_197 = tpu.memref_slice %arg4[%dma_wait3A_177, %dma_wait3A_193, %dma_wait3A_194, %dma_wait3A_195, %dma_wait3A_196] : memref<200x4x32x8x128xf32, #tpu.memory_space<hbm>> -> memref<1x4x4x8x128xf32, #tpu.memory_space<hbm>>
    %dma_wait3A_198 = tpu.memref_squeeze %dma_wait3A_197 : memref<1x4x4x8x128xf32, #tpu.memory_space<hbm>> -> memref<4x4x8x128xf32, #tpu.memory_space<hbm>>
    %dma_wait3A_199 = arith.constant 0 : i32
    %dma_wait3A_200 = arith.constant 0 : i32
    %dma_wait3A_201 = arith.constant 0 : i32
    %dma_wait3A_202 = arith.constant 0 : i32
    %dma_wait3A_203 = tpu.memref_slice %arg7[%dma_wait3A, %dma_wait3A_199, %dma_wait3A_200, %dma_wait3A_201, %dma_wait3A_202] : memref<2x4x4x8x129xf32, #tpu.memory_space<vmem>> -> memref<1x4x4x8x128xf32, #tpu.memory_space<vmem>>
    %dma_wait3A_204 = tpu.memref_squeeze %dma_wait3A_203 : memref<1x4x4x8x128xf32, #tpu.memory_space<vmem>> -> memref<4x4x8x128xf32, #tpu.memory_space<vmem>>
    tpu.wait_dma2 semaphore(%dma_wait3A_192 : memref<!tpu.dma_semaphore, #tpu.memory_space<semaphore_mem>>) src(%dma_wait3A_204 : memref<4x4x8x128xf32, #tpu.memory_space<vmem>>) dst(%dma_wait3A_198 : memref<4x4x8x128xf32, #tpu.memory_space<hbm>>)
    %dma_wait3A_205 = arith.constant 1 : i32
    %dma_wait3A_206 = arith.constant 0 : i32
    %dma_wait3A_207 = arith.constant 1 : i32
    %dma_wait3A_208 = arith.constant 0 : i32
    %dma_wait3A_209 = arith.constant 0 : i32
    %dma_wait3A_210 = arith.constant 0 : i32
    %dma_wait3A_211 = arith.constant 0 : i32
    %dma_wait3A_212 = tpu.memref_slice %arg7[%dma_wait3A_205, %dma_wait3A_208, %dma_wait3A_209, %dma_wait3A_210, %dma_wait3A_211] : memref<2x4x4x8x129xf32, #tpu.memory_space<vmem>> -> memref<1x4x4x8x128xf32, #tpu.memory_space<vmem>>
    %dma_wait3A_213 = tpu.memref_squeeze %dma_wait3A_212 : memref<1x4x4x8x128xf32, #tpu.memory_space<vmem>> -> memref<4x4x8x128xf32, #tpu.memory_space<vmem>>
    %dma_wait3A_214 = arith.constant 0 : i32
    %dma_wait3A_215 = arith.constant 0 : i32
    %dma_wait3A_216 = arith.constant 0 : i32
    %dma_wait3A_217 = arith.constant 0 : i32
    %dma_wait3A_218 = tpu.memref_slice %arg4[%dma_wait3A_206, %dma_wait3A_214, %dma_wait3A_215, %dma_wait3A_216, %dma_wait3A_217] : memref<200x4x32x8x128xf32, #tpu.memory_space<hbm>> -> memref<1x4x4x8x128xf32, #tpu.memory_space<hbm>>
    %dma_wait3A_219 = tpu.memref_squeeze %dma_wait3A_218 : memref<1x4x4x8x128xf32, #tpu.memory_space<hbm>> -> memref<4x4x8x128xf32, #tpu.memory_space<hbm>>
    %dma_wait3A_220 = tpu.memref_slice %arg9[%dma_wait3A_207] : memref<2x!tpu.dma_semaphore, #tpu.memory_space<semaphore_mem>> -> memref<1x!tpu.dma_semaphore, #tpu.memory_space<semaphore_mem>>
    %dma_wait3A_221 = tpu.memref_squeeze %dma_wait3A_220 : memref<1x!tpu.dma_semaphore, #tpu.memory_space<semaphore_mem>> -> memref<!tpu.dma_semaphore, #tpu.memory_space<semaphore_mem>>
    %dma_wait3A_222 = arith.constant 0 : i32
    %dma_wait3A_223 = arith.constant 0 : i32
    %dma_wait3A_224 = arith.constant 0 : i32
    %dma_wait3A_225 = arith.constant 0 : i32
    %dma_wait3A_226 = tpu.memref_slice %arg4[%dma_wait3A_206, %dma_wait3A_222, %dma_wait3A_223, %dma_wait3A_224, %dma_wait3A_225] : memref<200x4x32x8x128xf32, #tpu.memory_space<hbm>> -> memref<1x4x4x8x128xf32, #tpu.memory_space<hbm>>
    %dma_wait3A_227 = tpu.memref_squeeze %dma_wait3A_226 : memref<1x4x4x8x128xf32, #tpu.memory_space<hbm>> -> memref<4x4x8x128xf32, #tpu.memory_space<hbm>>
    %dma_wait3A_228 = arith.constant 0 : i32
    %dma_wait3A_229 = arith.constant 0 : i32
    %dma_wait3A_230 = arith.constant 0 : i32
    %dma_wait3A_231 = arith.constant 0 : i32
    %dma_wait3A_232 = tpu.memref_slice %arg7[%dma_wait3A_205, %dma_wait3A_228, %dma_wait3A_229, %dma_wait3A_230, %dma_wait3A_231] : memref<2x4x4x8x129xf32, #tpu.memory_space<vmem>> -> memref<1x4x4x8x128xf32, #tpu.memory_space<vmem>>
    %dma_wait3A_233 = tpu.memref_squeeze %dma_wait3A_232 : memref<1x4x4x8x128xf32, #tpu.memory_space<vmem>> -> memref<4x4x8x128xf32, #tpu.memory_space<vmem>>
    tpu.wait_dma2 semaphore(%dma_wait3A_221 : memref<!tpu.dma_semaphore, #tpu.memory_space<semaphore_mem>>) src(%dma_wait3A_233 : memref<4x4x8x128xf32, #tpu.memory_space<vmem>>) dst(%dma_wait3A_227 : memref<4x4x8x128xf32, #tpu.memory_space<hbm>>)
    return
  }
}

</mosaic_0001>

<sc_bundles>
// kernel: _emb_lookup.3.cloned.1.call-start
scs
__scs_entry_jumppad:
0x0: {  	(pc) =	sbr.rel $0x88, $3  }
0x1: {  	(tag) =	ssettag $0x0;
	lr =	simm.s32 $0x1  }
0x2: {  	[smem:$0x3F9F] =	sst lr;
	_ =	strace $0xD0000000  }
0x3: {  	_ = 	snop  }
0x4: {  	_ = 	snop  }
0x5: {  	_ = 	snop  }
0x6: {  	_ = 	snop  }
0x7: {  	_ = 	snop  }
__scs_overlays_trampoline_lowered:
0x8: {  	[smem:$0x3FAE] =	sst s0  }
0x9: {  	[smem:$0x3FAF] =	sst s1  }
0xa: {  	[smem:$0x3FB0] =	sst s2  }
0xb: {  	[smem:$0x3FB1] =	sst s3  }
0xc: {  	[smem:$0x3FB2] =	sst s4  }
0xd: {  	[smem:$0x3FB3] =	sst s5  }
0xe: {  	[smem:$0x3FB4] =	sst s6  }
0xf: {  	[smem:$0x3FB5] =	sst s7  }
0x10: {  	[smem:$0x3FB6] =	sst s8  }
0x11: {  	[smem:$0x3FB7] =	sst s9;
	s0 =	simm.s32 @!p0 $0x0  }
0x12: {  	s1 =	sld [smem:$0x3F9D];
	s0 =	simm.s32 @p0 $0x1  }
0x13: {  	[smem:$0x3FB8] =	sst s0;
	s0 =	simm.s32 @!p1 $0x0  }
0x14: {  	s2 =	sld [smem:$0x3F9C];
	s0 =	simm.s32 @p1 $0x1  }
0x15: {  	[smem:$0x3FB9] =	sst s0;
	s0 =	simm.s32 @!p2 $0x0  }
0x16: {  	s3 =	sld [smem:$0x3FDB];
	s0 =	simm.s32 @p2 $0x1  }
0x17: {  	s4 =	simm.s32 $0x1BF5;
	[smem:$0x3FBB] =	sst s0  }
0x18: {  	s0 =	sld [smem:$0x3F9E];
	_ =	swait.ge [sflag:s4], $0x0  }
0x19: {  	s7 =	sld [smem:$0x3F9F]  }
0x1a: {  	s8 =	sadd.s32 $0xFFFFE003, lr  }
0x1b: {  	s9 =	sadd.s32 $0xFFFFFEF7, lr;
	s5 =	simm.s32 $0xFFFFFFFF;
	p2 =	slt.u32 s8, $0xFFFFF086  }
0x1c: {  	p1 =	slt.u32 s9, $0xF7A;
	s5 =	simm.s32 @!p2 $0x0  }
0x1d: {  	s5 =	simm.s32 @p1 $0x1;
	p0 =	seq.s32 s7, s2  }
0x1e: {  	s7 =	smul.u32 @!p0 $0xF7A, s2;
	p2 =	seq.s32 @!p0 s5, $0x0  }
0x1f: {  	s9 =	smul.u32 $0xF7A, s1;
	s8 =	simm.s32 @!p0 $0x1BF5;
	p2 =	por !p2, p0  }
0x20: {  	[sflag:s8] =	ssyncset.s32 @!p0 $0xFFFFF086;
	s6 =	sadd.s32 @!p0 s3, s7;
	s7 =	simm.s32 @!p0 $0x108  }
0x21: {  	s3 =	sadd.s32 s3, s9;
	s6 =	sadd.s32 @!p0 $0x88, s6;
	s7 =	simm.s32 @p2 $0x1082  }
0x22: {  	[simem:s7], [sflag:s8] =	dma.local @!p0 [hbm:s6], $0xF7A  }
0x23: {  	s9 =	sor.u32 $0xD0000000, s2;
	s6 =	simm.s32 $0x108;
	_ =	swait.ge @!p0 [sflag:s8], $0x0  }
0x24: {  	s3 =	sadd.s32 $0x88, s3;
	s6 =	simm.s32 @!p1 $0x1082;
	[sflag:s4] =	ssyncset.s32 $0xFFFFF086  }
0x25: {  	[simem:s6], [sflag:s4] =	dma.local [hbm:s3], $0xF7A  }
0x26: {  	[smem:$0x3F9F] =	sst s1;
	(tag) =	ssettag s2;
	_ =	strace s9  }
0x27: {  	s1 =	sld [smem:$0x3FAF]  }
0x28: {  	s2 =	sld [smem:$0x3FB0]  }
0x29: {  	s4 =	sld [smem:$0x3FB2]  }
0x2a: {  	p0 =	seq.s32 s5, $0x0;
	s5 =	sld [smem:$0x3FB3]  }
0x2b: {  	s6 =	sld [smem:$0x3FB4]  }
0x2c: {  	s7 =	sld [smem:$0x3FB5]  }
0x2d: {  	s3 =	simm.s32 $0x108;
	s8 =	sld [smem:$0x3FB6]  }
0x2e: {  	s3 =	simm.s32 @!p0 $0x1082;
	s9 =	sld [smem:$0x3FB7]  }
0x2f: {  	lr =	sadd.s32 s0, s3;
	s0 =	sld [smem:$0x3FAE]  }
0x30: {  	s3 =	sld [smem:$0x3FB1]  }
0x31: {  	[smem:$0x3FBA] =	sst s10  }
0x32: {  	s10 =	sld [smem:$0x3FB8];
	_ =	sdelay $0x3  }
0x33: {  	p0 =	seq.s32 s10, $0x1;
	s10 =	sld [smem:$0x3FBA];
	_ =	sdelay $0x3  }
0x34: {  	[smem:$0x3FBA] =	sst s10  }
0x35: {  	s10 =	sld [smem:$0x3FB9];
	_ =	sdelay $0x3  }
0x36: {  	p1 =	seq.s32 s10, $0x1;
	s10 =	sld [smem:$0x3FBA];
	_ =	sdelay $0x3  }
0x37: {  	[smem:$0x3FBA] =	sst s10  }
0x38: {  	s10 =	sld [smem:$0x3FBB]  }
0x39: {  	_ = 	snop;
	(pc) =	sbr.ind lr, $3  }
0x3a: {  	_ = 	snop  }
0x3b: {  	_ = 	snop  }
0x3c: {  	p2 =	seq.s32 s10, $0x1;
	s10 =	sld [smem:$0x3FBA]  }
0x3d: {  	_ =	shalt  }
0x3e: {  	_ =	shalt  }
0x3f: {  	_ =	shalt  }
0x40: {  	_ =	shalt  }
0x41: {  	_ =	shalt  }
0x42: {  	_ =	shalt  }
0x43: {  	_ =	shalt  }
0x44: {  	_ =	shalt  }
0x45: {  	_ =	shalt  }
0x46: {  	_ =	shalt  }
0x47: {  	_ =	shalt  }
0x48: {  	_ =	shalt  }
0x49: {  	_ =	shalt  }
0x4a: {  	_ =	shalt  }
0x4b: {  	_ =	shalt  }
0x4c: {  	_ =	shalt  }
0x4d: {  	_ =	shalt  }
0x4e: {  	_ =	shalt  }
0x4f: {  	_ =	shalt  }
0x50: {  	_ =	shalt  }
0x51: {  	_ =	shalt  }
0x52: {  	_ =	shalt  }
0x53: {  	_ =	shalt  }
0x54: {  	_ =	shalt  }
0x55: {  	_ =	shalt  }
0x56: {  	_ =	shalt  }
0x57: {  	_ =	shalt  }
0x58: {  	_ =	shalt  }
0x59: {  	_ =	shalt  }
0x5a: {  	_ =	shalt  }
0x5b: {  	_ =	shalt  }
0x5c: {  	_ =	shalt  }
0x5d: {  	_ =	shalt  }
0x5e: {  	_ =	shalt  }
0x5f: {  	_ =	shalt  }
0x60: {  	_ =	shalt  }
0x61: {  	_ =	shalt  }
0x62: {  	_ =	shalt  }
0x63: {  	_ =	shalt  }
0x64: {  	_ =	shalt  }
0x65: {  	_ =	shalt  }
0x66: {  	_ =	shalt  }
0x67: {  	_ =	shalt  }
0x68: {  	_ =	shalt  }
0x69: {  	_ =	shalt  }
0x6a: {  	_ =	shalt  }
0x6b: {  	_ =	shalt  }
0x6c: {  	_ =	shalt  }
0x6d: {  	_ =	shalt  }
0x6e: {  	_ =	shalt  }
0x6f: {  	_ =	shalt  }
0x70: {  	_ =	shalt  }
0x71: {  	_ =	shalt  }
0x72: {  	_ =	shalt  }
0x73: {  	_ =	shalt  }
0x74: {  	_ =	shalt  }
0x75: {  	_ =	shalt  }
0x76: {  	_ =	shalt  }
0x77: {  	_ =	shalt  }
0x78: {  	_ =	shalt  }
0x79: {  	_ =	shalt  }
0x7a: {  	_ =	shalt  }
0x7b: {  	_ =	shalt  }
0x7c: {  	_ =	shalt  }
0x7d: {  	_ =	shalt  }
0x7e: {  	_ =	shalt  }
0x7f: {  	_ =	shalt  }
0x80: {  	_ =	shalt  }
0x81: {  	_ =	shalt  }
0x82: {  	_ =	shalt  }
0x83: {  	_ =	shalt  }
0x84: {  	_ =	shalt  }
0x85: {  	_ =	shalt  }
0x86: {  	_ =	shalt  }
0x87: {  	_ =	shalt  }
.Lfunc_end0:
.L_simem_size_0:
called_computation_lowered:
.L_overlay_start_0:
0x88: {  	s2 =	sld [smem:$0x3FD9]  }
0x89: {  	s3 =	sld [smem:$0x3FFE];
	_ =	sdelay $0x1  }
0x8a: {  	s1 =	srdreg.scid  }
0x8b: {  	s0 =	sand.u32 $0x1, s1  }
0x8c: {  	s17 =	sshll.u32 s0, $0xA;
	s2 =	sadd.s32 s3, s2  }
0x8d: {  	s2 =	sadd.s32 s2, s17  }
0x8e: {  	[smem:$0x3FC6] =	sst s2  }
0x8f: {  	_ = 	snop  }
0x90: {  	s2 =	sld [smem:$0x3FD0];
	(tm) =	ssettm $0x1  }
0x91: {  	s18 =	sld [smem:$0x3FFB];
	_ =	sdelay $0x3  }
0x92: {  	_ =	strace s18  }
0x93: {  	s3 =	sld [smem:$0x3FFC];
	_ =	sdelay $0x3  }
0x94: {  	_ =	strace s3  }
0x95: {  	s3 =	sld [smem:$0x3FFD];
	_ =	sdelay $0x3  }
0x96: {  	_ =	strace s3  }
0x97: {  	_ =	strace $0x8FFFFFFF  }
0x98: {  	s19 =	sld [smem:$0x3FDB];
	_ =	sdelay $0x1  }
0x99: {  	s4 =	simm.s32 $_scs_section_size  }
0x9a: {  	s5 =	simm.s32 $_size__tile_overlayer_lowered;
	s6 =	simm.s32 $_tile_overlayer_lowered  }
0x9b: {  	s22 =	simm.s32 $0x1BFF;
	s21 =	sshll.u32 s6, $0x1;
	s3 =	sadd.s32 s4, s19  }
0x9c: {  	s7 =	simm.s32 $0x0;
	s20 =	sshll.u32 s5, $0x1;
	s5 =	sadd.s32 s21, s3  }
0x9d: {  	[timem:s7], [sflag:s22] =	dma.local [hbm:s5], s20  }
0x9e: {  	_ =	swait.ge [sflag:s22], s20  }
0x9f: {  	s4 =	ssub.s32 $0x0, s20;
	[sflag:s22] =	ssyncset.done $0x0  }
0xa0: {  	[sflag:s22] =	ssyncadd.s32 s4;
	_ =	sdelay $0x1  }
0xa1: {  	s23 =	simm.s32 $0x1B8B  }
0xa2: {  	_ =	swait.ge [sflag:s23], $0x1  }
0xa3: {  	[sflag:s23] =	ssyncset.done $0x0  }
0xa4: {  	s25 =	simm.s32 $0x1B8E;
	s24 =	sld [smem:$0x3FFE];
	[sflag:s23] =	ssyncadd.s32 $0xFFFFFFFF  }
0xa5: {  	s26 =	simm.s32 $execute0_lowered;
	[smem:$0x3FD2] =	sst s25  }
0xa6: {  	s5 =	sshll.u32 s26, $0x1;
	_ =	strace $0x80000046;
	[dreg:$0x1] =	wrdreg $0xFFFFFFFF  }
0xa7: {  	s28 =	simm.s32 $_size_execute0_lowered;
	s3 =	sadd.s32 s3, s5;
	[dreg:$0x0] =	wrdreg $0x0  }
0xa8: {  	s5 =	sshll.u32 s28, $0x1;
	[dreg:$0x2] =	wrdreg s3  }
0xa9: {  	[dreg:$0x3] =	wrdreg s5  }
0xaa: {  	[dreg:$0x4] =	wrdreg $0xC0  }
0xab: {  	_ =	task [dreg:s7], $0x5FFFF  }
0xac: {  	[dreg:$0x1] =	wrdreg $0xFFFFFFFF  }
0xad: {  	[dreg:$0x0] =	wrdreg $0x60  }
0xae: {  	[dreg:$0x2] =	wrdreg s24  }
0xaf: {  	[dreg:$0x3] =	wrdreg s2  }
0xb0: {  	[dreg:$0x4] =	wrdreg $0x9  }
0xb1: {  	_ =	task.clear_ibuf [dreg:s7], $0x5FFFF;
	_ =	strace $0x90000046  }
0xb2: {  	s29 =	simm.s32 $0x9;
	_ =	strace $0x80000048  }
0xb3: {  	_ =	swait.ge [sflag:s29], $0x1  }
0xb4: {  	[sflag:s29] =	ssyncadd.s32 $0xFFFFFFFF  }
0xb5: {  	_ =	strace $0x90000048  }
0xb6: {  	_ =	sfence  }
0xb7: {  	s30 =	sld [smem:$0x0];
	_ =	sdelay $0x2  }
0xb8: {  	s31 =	sshll.u32 s1, $0xD;
	s1 =	sshrl.u32 s1, $0x2  }
0xb9: {  	s3 =	sand.u32 $0x4000, s31;
	s1 =	sadd.s32 s1, s30  }
0xba: {  	s0 =	sor.u32 s3, s0;
	s1 =	sshll.u32 s1, $0x11  }
0xbb: {  	s0 =	sor.u32 s1, s0  }
0xbc: {  	s0 =	sadd.s32 $0x8F2B, s0  }
0xbd: {  	[sflag:s0] =	ssyncadd.remote.s32 $0x1  }
0xbe: {  	_ =	sfence.sel $0xFFFF  }
0xbf: {  	[dreg:$0x0] =	wrdreg $0xFFFFFFFF;
	(pc) =	sbr.abs _section_cstart, $3  }
0xc0: {  	[dreg:$0x1] =	wrdreg $0xFFFFFFFF  }
0xc1: {  	_ =	task.clear_ibuf [dreg:s7], $0x2FFFF;
	_ =	strace $0x9FFFFFFF  }
0xc2: {  	(tm) =	ssettm $0x7FFFFFFF  }
0xc3: {  	_ =	shalt  }
tec
execute0_lowered:
.L_overlay_start_1:
0x0: {  	(tag) =	ssettag $0x1  }
0x1: {  	v0 =	vimm.s32 $0x14B8;
	vm0 =	vcmask $0x300;
	v1 =	vimm.s32 $0x36B8  }
0x2: {  	vm1 =	vcmask $0x704;
	v0 =	vsel vm0, $0x0, v0;
	v1 =	vsel vm0, $0x2200, v1  }
0x3: {  	vm15 =	vcmask $0xB08;
	v0 =	vsel vm1, $0x88, v0;
	v1 =	vsel vm1, $0x2288, v1  }
0x4: {  	s3 =	stileid.u32;
	vm4 =	vcmask $0xF0C;
	v0 =	vsel vm15, $0x110, v0;
	v1 =	vsel vm15, $0x2310, v1  }
0x5: {  	s0 =	rddreg [dreg:$0x0];
	s1 =	srdreg.scid;
	vm5 =	vcmask $0x1310;
	v0 =	vsel vm4, $0x198, v0;
	v1 =	vsel vm4, $0x2398, v1  }
0x6: {  	s6 =	rddreg [dreg:$0x1];
	vm6 =	vcmask $0x1714;
	s10 =	simm.s32 $0x5;
	s11 =	simm.s32 $0x80;
	v0 =	vsel vm5, $0x220, v0;
	v1 =	vsel vm5, $0x2420, v1  }
0x7: {  	vm7 =	vcmask $0x1B18;
	s20 =	simm.s32 $0xB400;
	s21 =	simm.s32 $0x300;
	s22 =	simm.s32 $0xC400;
	v0 =	vsel vm6, $0x2A8, v0;
	v1 =	vsel vm6, $0x24A8, v1  }
0x8: {  	vm8 =	vcmask $0x1F1C;
	s23 =	simm.s32 $0x380;
	s24 =	simm.s32 $0xD400;
	s25 =	simm.s32 $0x3;
	v0 =	vsel vm7, $0x330, v0;
	v1 =	vsel vm7, $0x2530, v1  }
0x9: {  	vm9 =	vcmask $0x2320;
	s26 =	simm.s32 $0x4;
	s2 =	sshll.u32 s3, $0x1;
	s4 =	sshrl.u32 s3, $0x2;
	v0 =	vsel vm8, $0x3B8, v0;
	v1 =	vsel vm8, $0x25B8, v1  }
0xa: {  	vm10 =	vcmask $0x2724;
	s1 =	sand.u32 $0x1, s1;
	s2 =	sand.u32 $0x6, s2;
	s5 =	smul.u32 $0x32000, s4;
	v0 =	vsel vm9, $0x1100, v0;
	v1 =	vsel vm9, $0x3300, v1  }
0xb: {  	vm11 =	vcmask $0x2B28;
	s28 =	simm.s32 $0x0;
	s4 =	smul.u32 $0x32, s4;
	s29 =	sor.u32 s1, s2;
	v0 =	vsel vm10, $0x1188, v0;
	v1 =	vsel vm10, $0x3388, v1  }
0xc: {  	vm12 =	vcmask $0x2F2C;
	s2 =	simm.s32 $0x0;
	s1 =	ssub.s32 $0x2, s1;
	s7 =	sshll.u32 s29, $0x9;
	v0 =	vsel vm11, $0x1210, v0;
	v1 =	vsel vm11, $0x3410, v1  }
0xd: {  	vm13 =	vcmask $0x3330;
	[smem:$0x7FF] =	sst s2;
	s30 =	sshrl.u32 s1, $0x1;
	s3 =	sor.u32 s5, s7;
	v0 =	vsel vm12, $0x1298, v0;
	v1 =	vsel vm12, $0x3498, v1  }
0xe: {  	vm14 =	vcmask $0x3734;
	_ =	strace $0x80000047;
	s31 =	ssub.s32 s1, s30;
	s3 =	sshrl.u32 s3, $0x3;
	v0 =	vsel vm13, $0x1320, v0;
	v1 =	vsel vm13, $0x3520, v1  }
0xf: {  	vm15 =	vcmask $0x3B38;
	s6 =	sadd.s32 s6, s7;
	s7 =	smax.u32 s31, $0x1;
	s8 =	sadd.s32 s3, s0;
	v0 =	vsel vm14, $0x13A8, v0;
	v1 =	vsel vm14, $0x35A8, v1  }
0x10: {  	s3 =	sadd.s32 $0xF42A00, s0;
	s5 =	sadd.s32 $0x600, s8;
	s8 =	simm.s32 $0x200;
	v0 =	vsel vm15, $0x1430, v0;
	v1 =	vsel vm15, $0x3630, v1  }
.LBB2_1:
0x11: {  	s0 =	simm.s32 $0x1000  }
0x12: {  	[tilespmem:s2], [sflag:$0x5] =	stream.strided.gather [hbm4b:s5+s8], $0x6400, s0, s8, $0x38;
	[tilespmem:$0x16C00] =	vst v63  }
0x13: {  	_ =	swait.ge [sflag:s10], $0x6400  }
0x14: {  	[sflag:s10] =	ssyncset.done $0x0  }
0x15: {  	s15 =	simm.s32 $0x6400;
	[sflag:s10] =	ssyncadd.s32 $0xFFFF9C00  }
0x16: {  	[tilespmem:s15], [sflag:$0x1] =	stream.indirect.gather [hbm4b:s3+s11], $0x20, s2, s11, $0xb8;
	[tilespmem:$0x16C00] =	vst v63  }
0x17: {  	s16 =	simm.s32 $0x7400  }
0x18: {  	[tilespmem:s16], [sflag:$0x1] =	stream.indirect.gather [hbm4b:s3+s11], $0x20, s11, s11, $0xb8;
	[tilespmem:$0x16C00] =	vst v63  }
0x19: {  	s17 =	simm.s32 $0x100;
	s1 =	simm.s32 $0x8400  }
0x1a: {  	[tilespmem:s1], [sflag:$0x1] =	stream.indirect.gather [hbm4b:s3+s11], $0x20, s17, s11, $0xb8;
	[tilespmem:$0x16C00] =	vst v63  }
0x1b: {  	s18 =	simm.s32 $0x180;
	s19 =	simm.s32 $0x9400  }
0x1c: {  	[tilespmem:s19], [sflag:$0x1] =	stream.indirect.gather [hbm4b:s3+s11], $0x20, s18, s11, $0xb8;
	[tilespmem:$0x16C00] =	vst v63  }
0x1d: {  	s30 =	simm.s32 $0xA400  }
0x1e: {  	[tilespmem:s30], [sflag:$0x2] =	stream.indirect.gather [hbm4b:s3+s11], $0x20, s8, s11, $0xb8;
	[tilespmem:$0x16C00] =	vst v63  }
0x1f: {  	s31 =	simm.s32 $0x280  }
0x20: {  	[tilespmem:s20], [sflag:$0x2] =	stream.indirect.gather [hbm4b:s3+s11], $0x20, s31, s11, $0xb8;
	[tilespmem:$0x16C00] =	vst v63  }
0x21: {  	_ = 	snop  }
0x22: {  	[tilespmem:s22], [sflag:$0x2] =	stream.indirect.gather [hbm4b:s3+s11], $0x20, s21, s11, $0xb8;
	[tilespmem:$0x16C00] =	vst v63  }
0x23: {  	p0 =	por $0x0, $0x0;
	s29 =	simm.s32 $0x0  }
0x24: {  	[tilespmem:s24], [sflag:$0x2] =	stream.indirect.gather [hbm4b:s3+s11], $0x20, s23, s11, $0xb8;
	[tilespmem:$0x16C00] =	vst v63  }
.LBB2_2:
0x25: {  	s31 =	sand.u32 $0x1, s29  }
0x26: {  	s30 =	sadd.s32 $0x1, s31  }
0x27: {  	_ =	swait.ge [sflag:s30], $0x1000  }
0x28: {  	[sflag:s30] =	ssyncset.done $0x0  }
0x29: {  	[sflag:s30] =	ssyncadd.s32 $0xFFFFF000  }
0x2a: {  	_ =	swait.ge [sflag:s30], $0x1000  }
0x2b: {  	[sflag:s30] =	ssyncset.done $0x0  }
0x2c: {  	[sflag:s30] =	ssyncadd.s32 $0xFFFFF000  }
0x2d: {  	_ =	swait.ge [sflag:s30], $0x1000  }
0x2e: {  	[sflag:s30] =	ssyncset.done $0x0  }
0x2f: {  	[sflag:s30] =	ssyncadd.s32 $0xFFFFF000  }
0x30: {  	s0 =	simm.s32 $0x1;
	s1 =	simm.s32 $0x0;
	_ =	swait.ge [sflag:s30], $0x1000  }
0x31: {  	p1 =	slt.u32 s29, $0x2;
	s9 =	simm.s32 $0x0;
	v2 =	vmov s1;
	[sflag:s30] =	ssyncset.done $0x0  }
0x32: {  	s19 =	simm.s32 $0x2;
	s12 =	sadd.s32 @!p1 $0x3, s31;
	v3 =	vmov s9;
	v2 =	vmul.u32 $0x440, v2;
	[sflag:s30] =	ssyncadd.s32 $0xFFFFF000  }
0x33: {  	s18 =	simm.s32 $0x1;
	s0 =	simm.s32 @!p0 $0x0;
	v4 =	vmov s19;
	v6 =	vand.u32 $0x4, v3;
	v7 =	vand.u32 $0x78, v3;
	_ =	swait.ge @!p1 [sflag:s12], $0x4000  }
0x34: {  	s14 =	simm.s32 $0x3;
	s13 =	sshll.u32 s0, $0xE;
	v3 =	vmov s18;
	v10 =	vand.u32 $0x6, v4;
	v8 =	vbroadcast v2, $0x0;
	[sflag:s12] =	ssyncset.done @!p1 $0x0  }
0x35: {  	v13 =	vand.u32 $0x78, v4;
	s15 =	sadd.s32 $0x6440, s13;
	v9 =	vand.u32 $0x5, v3;
	v2 =	vmov s14;
	[sflag:s12] =	ssyncadd.s32 @!p1 $0xFFFFC000  }
0x36: {  	s19 =	simm.s32 $0x6;
	v11 =	vand.u32 $0x78, v3;
	v12 =	vand.u32 $0x78, v2;
	v3 =	vadd.s32 v0, v8;
	v5 =	vld [tilespmem:s15+$0x20]  }
0x37: {  	s18 =	simm.s32 $0x5;
	v24 =	vmov s19;
	v14 =	vand.u32 $0x7, v2;
	v2 =	vadd.s32 v12, v3;
	v4 =	vld [tilespmem:s15+$0xFFFFFFC0]  }
0x38: {  	v22 =	vmov s18;
	v15 =	vadd.s32 v7, v3;
	v18 =	vor.u32 v14, v2;
	v16 =	vld [tilespmem:s15+$0xFFFFFFE0]  }
0x39: {  	s17 =	smul.u32 $0x11000, s31;
	v8 =	vadd.s32 v1, v8;
	v17 =	vadd.s32 v11, v3;
	v15 =	vor.u32 v6, v15;
	v19 =	vld [tilespmem:s15+$0x0]  }
0x3a: {  	v7 =	vadd.s32 v7, v8;
	v12 =	vadd.s32 v12, v8;
	v17 =	vor.u32 v9, v17  }
0x3b: {  	s16 =	simm.s32 $0x4;
	v11 =	vadd.s32 v11, v8;
	v2 =	vadd.s32 v13, v3;
	s12 =	sshrl.u32 s17, $0x2;
	v21 =	vmul.f32 $5.656854150e+00, v5  }
0x3c: {  	v3 =	vmov s16;
	s16 =	sadd.s32 $0x80, s15;
	v20 =	vor.u32 v10, v2;
	s13 =	sadd.s32 $0xE400, s12;
	v23 =	vmul.f32 $5.656854150e+00, v4  }
0x3d: {  	v12 =	vor.u32 v14, v12;
	v14 =	vor.u32 v6, v7;
	s12 =	simm.s32 $0x0;
	v63 =	vld [tilespmem:s16+$0x0];
	v16 =	vmul.f32 $5.656854150e+00, v16;
	[tilespmem:v18+s13+$0x0] =	vst.idx.msk $0xffff, v21  }
0x3e: {  	v6 =	vadd.s32 v13, v8;
	[tilespmem:v15+s13+$0x0] =	vst.idx.msk $0xffff, v23;
	v15 =	vmul.f32 $5.656854150e+00, v19;
	v19 =	vmov s12;
	v18 =	vld [tilespmem:s15+$0x30]  }
0x3f: {  	v8 =	vand.u32 $0x78, v22;
	v4 =	vand.u32 $0x5, v22;
	v22 =	vld [tilespmem:s16+$0xFFFFFFE0];
	[tilespmem:v17+s13+$0x0] =	vst.idx.msk $0xffff, v16;
	v16 =	vmul.u32 $0x440, v19  }
0x40: {  	v7 =	vand.u32 $0x78, v24;
	v2 =	vand.u32 $0x4, v3;
	v21 =	vld [tilespmem:s15+$0xFFFFFFD0]  }
0x41: {  	s14 =	simm.s32 $0x7;
	v6 =	vor.u32 v10, v6;
	v23 =	vor.u32 v9, v11;
	v11 =	vld [tilespmem:s15+$0xFFFFFFF0];
	[tilespmem:v20+s13+$0x0] =	vst.idx.msk $0xffff, v15;
	v25 =	vbroadcast v16, $0x0  }
0x42: {  	v5 =	vand.u32 $0x78, v3;
	v3 =	vand.u32 $0x6, v24;
	v9 =	vmov s14;
	v13 =	vld [tilespmem:s15+$0x10]  }
0x43: {  	v10 =	vand.u32 $0x78, v9;
	v16 =	vadd.s32 v0, v25;
	v15 =	vmul.f32 $5.656854150e+00, v18;
	v18 =	vld [tilespmem:s16+$0x20]  }
0x44: {  	v9 =	vand.u32 $0x7, v9;
	v20 =	vld [tilespmem:s16+$0xFFFFFFC0];
	v22 =	vmul.f32 $5.656854150e+00, v22;
	v17 =	vadd.s32 v10, v16  }
0x45: {  	v19 =	vmul.f32 $5.656854150e+00, v21;
	v21 =	vadd.s32 v5, v16;
	v26 =	vor.u32 v9, v17  }
0x46: {  	v62 =	vadd.s32 v8, v16;
	v16 =	vadd.s32 v7, v16;
	v21 =	vor.u32 v2, v21  }
0x47: {  	s0 =	smul.u32 $0x11000, s0;
	s17 =	simm.s32 $0x8;
	v27 =	vmul.f32 $5.656854150e+00, v11;
	v17 =	vor.u32 v4, v62;
	[tilespmem:v12+s13+$0x0] =	vst.idx.msk $0xffff, v15;
	v15 =	vor.u32 v3, v16  }
0x48: {  	s1 =	sshll.u32 s31, $0xE;
	s18 =	simm.s32 $0x9;
	v12 =	vmov s17;
	[tilespmem:v14+s13+$0x0] =	vst.idx.msk $0xffff, v19;
	v14 =	vmul.f32 $5.656854150e+00, v13;
	v13 =	vmul.f32 $5.656854150e+00, v18  }
0x49: {  	s19 =	simm.s32 $0xA;
	s9 =	sadd.s32 $0x6400, s1;
	s15 =	sshrl.u32 s0, $0x2;
	v19 =	vmov s18;
	[tilespmem:v23+s13+$0x0] =	vst.idx.msk $0xffff, v27;
	v23 =	vmul.f32 $5.656854150e+00, v63;
	v18 =	vmul.f32 $5.656854150e+00, v20  }
0x4a: {  	s0 =	sadd.s32 $0x11700, s15;
	s12 =	sadd.s32 $0x10600, s15;
	s14 =	sadd.s32 $0xF500, s15;
	v11 =	vand.u32 $0x4, v12;
	v16 =	vand.u32 $0x78, v12;
	v20 =	vmov s19;
	[tilespmem:v26+s13+$0x0] =	vst.idx.msk $0xffff, v13  }
0x4b: {  	s15 =	sadd.s32 $0xE400, s15;
	s18 =	simm.s32 $0xC;
	v12 =	vand.u32 $0x5, v19;
	s19 =	simm.s32 $0x0;
	v13 =	vand.u32 $0x6, v20;
	[tilespmem:v21+s13+$0x0] =	vst.idx.msk $0xffff, v18;
	v21 =	vadd.s32 v1, v25;
	v18 =	vld [tilespmem:s16+$0x30]  }
.LBB2_3:
0x4c: {  	p1 =	slt.u32 s18, $0x1FC;
	v24 =	vmov s19;
	v25 =	vld [tilespmem:s16+$0xFFFFFFD0];
	v26 =	vadd.s32 v5, v21;
	[tilespmem:v17+s13+$0x0] =	vst.idx.msk $0xffff, v22;
	v10 =	vadd.s32 v10, v21;
	v5 =	vmovc v16  }
0x4d: {  	v8 =	vadd.s32 v8, v21;
	v16 =	vmul.u32 $0x440, v24;
	v22 =	vld [tilespmem:s16+$0xFFFFFFF0];
	[tilespmem:v15+s13+$0x0] =	vst.idx.msk $0xffff, v23;
	v15 =	vor.u32 v9, v10  }
0x4e: {  	v7 =	vadd.s32 v7, v21;
	v23 =	vor.u32 v2, v26;
	v24 =	vor.u32 v4, v8;
	v2 =	vmovc v11;
	v26 =	vld [tilespmem:s16+$0x10]  }
0x4f: {  	s19 =	sadd.s32 $0x3, s17;
	s17 =	smov.u32 s18;
	v8 =	vand.u32 $0x78, v19;
	v4 =	vmovc v12;
	v21 =	vbroadcast v16, $0x0;
	[tilespmem:v6+s13+$0x0] =	vst.idx.msk $0xffff, v14;
	v6 =	vor.u32 v3, v7  }
0x50: {  	v9 =	vmov s19;
	s16 =	sadd.s32 $0x80, s16;
	v7 =	vand.u32 $0x78, v20;
	v3 =	vmovc v13;
	v11 =	vmul.f32 $5.656854150e+00, v18  }
0x51: {  	v10 =	vand.u32 $0x78, v9;
	v12 =	vadd.s32 v0, v21;
	v13 =	vld [tilespmem:s16+$0x20];
	v14 =	vmul.f32 $5.656854150e+00, v25  }
0x52: {  	v9 =	vand.u32 $0x7, v9;
	v18 =	vld [tilespmem:s16+$0xFFFFFFC0];
	v16 =	vadd.s32 v5, v12;
	v17 =	vadd.s32 v10, v12;
	[tilespmem:v15+s13+$0x0] =	vst.idx.msk $0xffff, v11  }
0x53: {  	v11 =	vadd.s32 v8, v12;
	v12 =	vadd.s32 v7, v12;
	v25 =	vld [tilespmem:s16+$0xFFFFFFE0];
	v27 =	vor.u32 v9, v17  }
0x54: {  	v28 =	vor.u32 v2, v16;
	v17 =	vor.u32 v4, v11;
	v15 =	vor.u32 v3, v12;
	v29 =	vld [tilespmem:s16+$0x0]  }
.Ltmp0:
0x55: {  	v20 =	vmul.f32 $5.656854150e+00, v22;
	v12 =	vmov s18;
	[tilespmem:v23+s13+$0x0] =	vst.idx.msk $0xffff, v14;
	v14 =	vmul.f32 $5.656854150e+00, v26;
	(pc) =	sbr.rel @p1 .LBB2_3-.Ltmp0, $4  }
0x56: {  	s19 =	sadd.s32 $0x1, s18;
	v11 =	vand.u32 $0x4, v12;
	v13 =	vmul.f32 $5.656854150e+00, v13  }
0x57: {  	v19 =	vmov s19;
	s19 =	sadd.s32 $0x2, s18;
	v16 =	vand.u32 $0x78, v12;
	v18 =	vmul.f32 $5.656854150e+00, v18;
	[tilespmem:v24+s13+$0x0] =	vst.idx.msk $0xffff, v20  }
0x58: {  	v12 =	vand.u32 $0x5, v19;
	v20 =	vmov s19;
	v22 =	vmul.f32 $5.656854150e+00, v25;
	[tilespmem:v27+s13+$0x0] =	vst.idx.msk $0xffff, v13  }
0x59: {  	v21 =	vadd.s32 v1, v21;
	s18 =	sadd.s32 $0x4, s18;
	s19 =	sshrl.u32 s17, $0x7;
	v13 =	vand.u32 $0x6, v20;
	[tilespmem:v28+s13+$0x0] =	vst.idx.msk $0xffff, v18;
	v23 =	vmul.f32 $5.656854150e+00, v29;
	v18 =	vld [tilespmem:s16+$0x30]  }
0x5a: {  	v24 =	vmov s19  }
0x5b: {  	v24 =	vmul.u32 $0x440, v24;
	_ =	sdelay $0x1  }
0x5c: {  	s17 =	sadd.s32 $0x3, s17;
	v24 =	vbroadcast v24, $0x0  }
0x5d: {  	s19 =	sadd.s32 $0x80, s16;
	v25 =	vmov s17  }
0x5e: {  	v27 =	vld [tilespmem:s19+$0x20];
	v28 =	vand.u32 $0x78, v25;
	v26 =	vadd.s32 v0, v24  }
0x5f: {  	v29 =	vld [tilespmem:s19+$0xFFFFFFC0];
	v25 =	vand.u32 $0x7, v25;
	v30 =	vadd.s32 v28, v26  }
0x60: {  	v19 =	vand.u32 $0x78, v19;
	v32 =	vld [tilespmem:s19+$0xFFFFFFE0];
	v31 =	vadd.s32 v16, v26;
	v30 =	vor.u32 v25, v30  }
0x61: {  	[tilespmem:v17+s13+$0x0] =	vst.idx.msk $0xffff, v22;
	v37 =	vand.u32 $0x78, v20;
	v40 =	vld [tilespmem:s19+$0x0];
	v38 =	vadd.s32 v19, v26;
	v39 =	vor.u32 v11, v31  }
0x62: {  	v5 =	vadd.s32 v5, v21;
	v26 =	vadd.s32 v37, v26;
	v20 =	vor.u32 v12, v38  }
0x63: {  	v41 =	vld [tilespmem:s16+$0xFFFFFFD0];
	v10 =	vadd.s32 v10, v21;
	[tilespmem:v6+s13+$0x0] =	vst.idx.msk $0xffff, v14;
	v43 =	vmul.f32 $5.656854150e+00, v27;
	v42 =	vor.u32 v13, v26  }
0x64: {  	v8 =	vadd.s32 v8, v21;
	[tilespmem:v15+s13+$0x0] =	vst.idx.msk $0xffff, v23;
	v44 =	vor.u32 v9, v10;
	v45 =	vld [tilespmem:s16+$0xFFFFFFF0];
	v46 =	vmul.f32 $5.656854150e+00, v29  }
0x65: {  	v7 =	vadd.s32 v7, v21;
	v2 =	vor.u32 v2, v5;
	v47 =	vld [tilespmem:s16+$0x10];
	v48 =	vmul.f32 $5.656854150e+00, v32;
	[tilespmem:v30+s13+$0x0] =	vst.idx.msk $0xffff, v43  }
0x66: {  	v4 =	vor.u32 v4, v8;
	v49 =	vadd.s32 v1, v24;
	v50 =	vmul.f32 $5.656854150e+00, v40;
	[tilespmem:v39+s13+$0x0] =	vst.idx.msk $0xffff, v46;
	v51 =	vld [tilespmem:s19+$0x30]  }
0x67: {  	v3 =	vor.u32 v3, v7;
	v52 =	vmul.f32 $5.656854150e+00, v18;
	v54 =	vadd.s32 v28, v49;
	[tilespmem:v20+s13+$0x0] =	vst.idx.msk $0xffff, v48;
	v53 =	vld [tilespmem:s19+$0xFFFFFFD0]  }
0x68: {  	v15 =	vmul.f32 $5.656854150e+00, v41;
	v55 =	vadd.s32 v16, v49;
	v8 =	vor.u32 v25, v54;
	[tilespmem:v42+s13+$0x0] =	vst.idx.msk $0xffff, v50;
	v20 =	vld [tilespmem:s19+$0xFFFFFFF0]  }
0x69: {  	[tilespmem:v44+s13+$0x0] =	vst.idx.msk $0xffff, v52;
	v56 =	vmul.f32 $5.656854150e+00, v45;
	v57 =	vadd.s32 v19, v49;
	v58 =	vor.u32 v11, v55;
	v59 =	vld [tilespmem:s19+$0x10]  }
0x6a: {  	v61 =	vadd.s32 v37, v49;
	[tilespmem:v2+s13+$0x0] =	vst.idx.msk $0xffff, v15;
	v2 =	vmul.f32 $5.656854150e+00, v47;
	v60 =	vor.u32 v12, v57  }
0x6b: {  	v62 =	vor.u32 v13, v61;
	[tilespmem:v4+s13+$0x0] =	vst.idx.msk $0xffff, v56;
	v63 =	vmul.f32 $5.656854150e+00, v51  }
0x6c: {  	[tilespmem:v3+s13+$0x0] =	vst.idx.msk $0xffff, v2;
	v2 =	vmul.f32 $5.656854150e+00, v53  }
0x6d: {  	s18 =	sadd.s32 s4, s29;
	v3 =	vmul.f32 $5.656854150e+00, v20;
	[tilespmem:v8+s13+$0x0] =	vst.idx.msk $0xffff, v63  }
0x6e: {  	s19 =	sshll.u32 s18, $0xE;
	[tilespmem:v58+s13+$0x0] =	vst.idx.msk $0xffff, v2;
	v2 =	vmul.f32 $5.656854150e+00, v59  }
0x6f: {  	s16 =	sadd.s32 $0x3, s31;
	s17 =	sadd.s32 s19, s6;
	[tilespmem:v60+s13+$0x0] =	vst.idx.msk $0xffff, v3  }
0x70: {  	s18 =	sadd.s32 $0x88, s15;
	s19 =	sadd.s32 $0x0, s17;
	[tilespmem:v62+s13+$0x0] =	vst.idx.msk $0xffff, v2;
	s13 =	simm.s32 $0x10  }
.LBB2_5:
0x71: {  	[hbm4b:s19+s2] =	stream.linear.scatter [tilespmem:s15], [sflag:s16], $0x80, $0x38;
	[tilespmem:$0x16C00] =	vst v63  }
0x72: {  	s19 =	smov.u32 s13;
	s15 =	smov.u32 s18;
	p1 =	sne.s32 s13, $0x1F0  }
.Ltmp1:
0x73: {  	s13 =	sadd.s32 $0x10, s13;
	(pc) =	sbr.rel @p1 .LBB2_5-.Ltmp1, $2  }
0x74: {  	_ =	sdelay $0x2  }
0x75: {  	s18 =	sadd.s32 $0x88, s18;
	s19 =	sadd.s32 s19, s17  }
0x76: {  	[hbm4b:s19+s2] =	stream.linear.scatter [tilespmem:s15], [sflag:s16], $0x80, $0x38;
	[tilespmem:$0x16C00] =	vst v63  }
0x77: {  	s13 =	sadd.s32 $0x1000, s17  }
0x78: {  	s15 =	simm.s32 $0x10;
	s18 =	sadd.s32 $0x88, s14;
	s19 =	sadd.s32 $0x0, s13  }
.LBB2_7:
0x79: {  	[hbm4b:s19+s2] =	stream.linear.scatter [tilespmem:s14], [sflag:s16], $0x80, $0x38;
	[tilespmem:$0x16C00] =	vst v63  }
0x7a: {  	s19 =	smov.u32 s15;
	s14 =	smov.u32 s18;
	p1 =	sne.s32 s15, $0x1F0  }
.Ltmp2:
0x7b: {  	s15 =	sadd.s32 $0x10, s15;
	(pc) =	sbr.rel @p1 .LBB2_7-.Ltmp2, $2  }
0x7c: {  	_ =	sdelay $0x2  }
0x7d: {  	s18 =	sadd.s32 $0x88, s18;
	s19 =	sadd.s32 s19, s13  }
0x7e: {  	[hbm4b:s19+s2] =	stream.linear.scatter [tilespmem:s14], [sflag:s16], $0x80, $0x38;
	[tilespmem:$0x16C00] =	vst v63  }
0x7f: {  	s13 =	sadd.s32 $0x2000, s17  }
0x80: {  	s14 =	simm.s32 $0x10;
	s15 =	sadd.s32 $0x88, s12;
	s18 =	sadd.s32 $0x0, s13  }
.LBB2_9:
0x81: {  	[hbm4b:s18+s2] =	stream.linear.scatter [tilespmem:s12], [sflag:s16], $0x80, $0x38;
	[tilespmem:$0x16C00] =	vst v63  }
0x82: {  	s18 =	smov.u32 s14;
	s12 =	smov.u32 s15;
	p1 =	sne.s32 s14, $0x1F0  }
.Ltmp3:
0x83: {  	s14 =	sadd.s32 $0x10, s14;
	(pc) =	sbr.rel @p1 .LBB2_9-.Ltmp3, $2  }
0x84: {  	_ =	sdelay $0x2  }
0x85: {  	s15 =	sadd.s32 $0x88, s15;
	s18 =	sadd.s32 s18, s13  }
0x86: {  	[hbm4b:s18+s2] =	stream.linear.scatter [tilespmem:s12], [sflag:s16], $0x80, $0x38;
	[tilespmem:$0x16C00] =	vst v63  }
0x87: {  	s12 =	sadd.s32 $0x3000, s17  }
0x88: {  	s13 =	simm.s32 $0x10;
	s14 =	sadd.s32 $0x88, s0;
	s15 =	sadd.s32 $0x0, s12  }
.LBB2_11:
0x89: {  	[hbm4b:s15+s2] =	stream.linear.scatter [tilespmem:s0], [sflag:s16], $0x80, $0x38;
	[tilespmem:$0x16C00] =	vst v63  }
0x8a: {  	s15 =	smov.u32 s13;
	s0 =	smov.u32 s14;
	p1 =	sne.s32 s13, $0x1F0  }
.Ltmp4:
0x8b: {  	s13 =	sadd.s32 $0x10, s13;
	(pc) =	sbr.rel @p1 .LBB2_11-.Ltmp4, $2  }
0x8c: {  	_ =	sdelay $0x2  }
0x8d: {  	s14 =	sadd.s32 $0x88, s14;
	s15 =	sadd.s32 s15, s12  }
0x8e: {  	[hbm4b:s15+s2] =	stream.linear.scatter [tilespmem:s0], [sflag:s16], $0x80, $0x38;
	[tilespmem:$0x16C00] =	vst v63  }
0x8f: {  	p1 =	sgt.u32 s29, $0x2F  }
0x90: {  	s0 =	sshll.u32 @!p1 s29, $0x9  }
0x91: {  	s0 =	sand.u32 @!p1 $0x3FFFFE00, s0  }
0x92: {  	s13 =	simm.s32 @!p1 $0x80;
	s12 =	sadd.s32 @!p1 $0x400, s0  }
0x93: {  	[tilespmem:s9], [sflag:s30] =	stream.indirect.gather @!p1 [hbm4b:s3+s13], $0x20, s12, s13, $0xb8;
	[tilespmem:$0x16C00] =	vst v63  }
0x94: {  	s9 =	sadd.s32 @!p1 $0x7400, s1;
	s12 =	sadd.s32 @!p1 $0x480, s0  }
0x95: {  	[tilespmem:s9], [sflag:s30] =	stream.indirect.gather @!p1 [hbm4b:s3+s13], $0x20, s12, s13, $0xb8;
	[tilespmem:$0x16C00] =	vst v63  }
0x96: {  	s9 =	sadd.s32 @!p1 $0x8400, s1;
	s12 =	sadd.s32 @!p1 $0x500, s0  }
0x97: {  	[tilespmem:s9], [sflag:s30] =	stream.indirect.gather @!p1 [hbm4b:s3+s13], $0x20, s12, s13, $0xb8;
	[tilespmem:$0x16C00] =	vst v63  }
0x98: {  	s29 =	sadd.s32 $0x1, s29;
	s1 =	sadd.s32 @!p1 $0x9400, s1;
	s0 =	sadd.s32 @!p1 $0x580, s0  }
0x99: {  	[tilespmem:s1], [sflag:s30] =	stream.indirect.gather @!p1 [hbm4b:s3+s13], $0x20, s0, s13, $0xb8;
	[tilespmem:$0x16C00] =	vst v63  }
0x9a: {  	p1 =	sne.s32 s29, $0x32  }
.Ltmp5:
0x9b: {  	_ = 	snop;
	(pc) =	sbr.rel @p1 .LBB2_2-.Ltmp5, $2  }
0x9c: {  	_ =	sdelay $0x2  }
0x9d: {  	p0 =	por !p0, !p0  }
0x9e: {  	s28 =	sadd.s32 $0x1, s28  }
0x9f: {  	_ =	swait.ge [sflag:s25], $0x4000;
	p0 =	sne.s32 s28, s7  }
.Ltmp6:
0xa0: {  	[sflag:s25] =	ssyncset.done $0x0;
	(pc) =	sbr.rel @p0 .LBB2_1-.Ltmp6, $4  }
0xa1: {  	[sflag:s25] =	ssyncadd.s32 $0xFFFFC000  }
0xa2: {  	_ =	swait.ge [sflag:s26], $0x4000  }
0xa3: {  	[sflag:s26] =	ssyncset.done $0x0  }
0xa4: {  	[sflag:s26] =	ssyncadd.s32 $0xFFFFC000  }
0xa5: {  	_ =	sfence.sel $0x180000  }
0xa6: {  	[bflag:$0x0] =	sbarrier.arrive $0xFFFF  }
0xa7: {  	_ =	strace $0x90000047  }
0xa8: {  	s0 =	stileid.u32;
	[bflag:$0x2] =	sbarrier.arrive $0xFFFF  }
0xa9: {  	p0 =	sne.s32 s0, $0x0;
	s0 =	rddreg [dreg:$0x2]  }
0xaa: {  	s0 =	sadd.s32 @!p0 $0x100000, s0  }
0xab: {  	[sflag:s0] =	ssyncadd.tile.s32 @!p0 $0x1;
	_ =	shalt  }
.Lfunc_end2:
_tile_overlayer_lowered:
.L_overlay_start_2:
0xac: {  	(tag) =	ssettag $0x2  }
0xad: {  	s0 =	rddreg [dreg:$0x0];
	s2 =	stileid.u32  }
0xae: {  	s1 =	rddreg [dreg:$0x1];
	p0 =	sne.s32 s2, $0x0  }
0xaf: {  	s3 =	rddreg [dreg:$0x2];
	[bflag:$0x3] =	sbarrier.arrive $0xFFFF;
	s2 =	simm.s32 @!p0 $0x1C05  }
0xb0: {  	[timem:s3], [sflag:s2] =	dma.local @!p0 [hbm:s0], s1  }
0xb1: {  	s0 =	simm.s32 @!p0 $0x5  }
0xb2: {  	_ =	swait.ge @!p0 [sflag:s0], s1  }
0xb3: {  	s1 =	ssub.s32 @!p0 $0x0, s1;
	[sflag:s0] =	ssyncset.done @!p0 $0x0  }
0xb4: {  	[sflag:s0] =	ssyncadd.s32 @!p0 s1  }
0xb5: {  	[bflag:$0x3] =	sbarrier.arrive $0xFFFF  }
0xb6: {  	_ =	shalt  }

</sc_bundles>
